<compile_context>
chip_gen: v7x
topology: tpu7x:2x2x1
jax: 0.10.2.dev20260603
libtpu: 0.0.44.dev20260713+nightly
codegen_flags: <defaults>
</compile_context>

<pallas_src>
import functools

import jax
import jax.numpy as jnp
from jax import lax
from jax.experimental import pallas as pl
from jax.experimental.pallas import tpu as pltpu

_Q = 128
_QM = 256
_IMAX = 0x7FFFFFFF


def _ord_pack(d, nbits):
    i = lax.bitcast_convert_type(d, jnp.int32)
    o = i ^ ((i >> 31) & 0x7FFFFFFF)
    col = lax.broadcasted_iota(jnp.int32, d.shape, 0)
    return (o & (-(1 << nbits))) | col


def _knn1_body(nsample, nbits, c2_ref, c1_ref, idx_ref, n2_s):
    @pl.when(pl.program_id(1) == 0)
    def _():
        c2 = c2_ref[0]
        n2_s[...] = jnp.sum(c2 * c2, axis=1, keepdims=True)

    c1 = c1_ref[0]
    d = n2_s[...] - 2.0 * jnp.dot(c2_ref[0], c1,
                                  preferred_element_type=jnp.float32)
    i = lax.bitcast_convert_type(d, jnp.int32)
    p = i ^ ((i >> 31) & 0x7FFFFFFF)
    col = lax.broadcasted_iota(jnp.int32, d.shape, 0)
    rows = []
    for k in range(nsample):
        m = jnp.min(p, axis=0)
        eq = p == m[None, :]
        rows.append(jnp.min(jnp.where(eq, col, _IMAX), axis=0))
        if k + 1 < nsample:
            p = jnp.where(eq, _IMAX, p)
    idx_ref[...] = jnp.stack(rows, axis=0)[None]


def _knn2_body(kk, x1r_ref, x1c_ref, idx_ref, n2_s):
    f32 = jnp.float32

    @pl.when(pl.program_id(1) == 0)
    def _():
        x = x1r_ref[0]
        n2_s[...] = jnp.sum(x * x, axis=1, keepdims=True)

    xc = x1c_ref[0]
    nq = jnp.sum(xc * xc, axis=0, keepdims=True)
    d = ((-2.0) * jnp.dot(x1r_ref[0], xc, preferred_element_type=f32)
         + nq) + n2_s[...]
    i = lax.bitcast_convert_type(d, jnp.int32)
    p = i ^ ((i >> 31) & 0x7FFFFFFF)
    col = lax.broadcasted_iota(jnp.int32, d.shape, 0)
    rows = []
    for k in range(kk):
        m = jnp.min(p, axis=0)
        eq = p == m[None, :]
        rows.append(jnp.min(jnp.where(eq, col, _IMAX), axis=0))
        if k + 1 < kk:
            p = jnp.where(eq, _IMAX, p)
    idx_ref[...] = jnp.stack(rows, axis=0)[None]


def _leaky(x):
    return jnp.where(x >= 0, x, 0.1 * x)


def _mlp_body(qm, g_ref, p1_ref, x1_ref, wr_ref, w0_ref, b0_ref, w1_ref,
              b1_ref, a1_ref, ab1_ref, a2_ref, ab2_ref, a3_ref, ab3_ref,
              out_ref):
    f32 = jnp.float32
    s = qm * 16
    gf = g_ref[0].reshape(s, 80)
    p2g = gf[:, 0:64]
    xg = gf[:, 64:67]
    p1 = p1_ref[0]
    p1b = jnp.broadcast_to(p1[:, None, :], (qm, 16, 64)).reshape(s, 64)
    x1 = x1_ref[0][:, 0:3]
    x1b = jnp.broadcast_to(x1[:, None, :], (qm, 16, 3)).reshape(s, 3)
    dirv = xg - x1b
    x = jnp.concatenate(
        [p1b, p2g, dirv, jnp.zeros((s, 13), f32)], axis=1)
    h = _leaky(jnp.dot(x, w0_ref[...], preferred_element_type=f32)
               + b0_ref[...])
    h = _leaky(jnp.dot(h, w1_ref[...], preferred_element_type=f32)
               + b1_ref[...])
    wt = jnp.maximum(jnp.dot(dirv, a1_ref[...], preferred_element_type=f32)
                     + ab1_ref[...], 0.0)
    wt = jnp.maximum(jnp.dot(wt, a2_ref[...], preferred_element_type=f32)
                     + ab2_ref[...], 0.0)
    wt = jnp.maximum(jnp.dot(wt, a3_ref[...], preferred_element_type=f32)
                     + ab3_ref[...], 0.0)
    pr = (h * wt).reshape(qm, 16, 128).sum(axis=1)
    out_ref[...] = (pr * wr_ref[0])[None]


def kernel(xyz1, xyz2, points1, points2, vel1, vel2, mask1, mask2,
           generator, gfeat, w_xyz, w_vel, w_points, W0, b0, W1, b1,
           wn_W1, wn_b1, wn_W2, wn_b2, wn_W3, wn_b3):
    f32 = jnp.float32
    B, C, N1 = xyz1.shape
    N2 = xyz2.shape[2]
    D = points1.shape[1]
    NS = 16
    K2 = 8
    nbits = max((N2 - 1).bit_length(), (N1 - 1).bit_length())
    CK = 128

    x2r = jnp.transpose(xyz2, (0, 2, 1))
    p2r = jnp.transpose(points2, (0, 2, 1))
    x1r = jnp.transpose(xyz1, (0, 2, 1))
    p1r = jnp.transpose(points1, (0, 2, 1))
    c1t = jnp.concatenate(
        [xyz1 * w_xyz, points1 * w_points,
         jnp.zeros((B, CK - C - D, N1), f32)], axis=1)
    c2rows = jnp.concatenate(
        [x2r * w_xyz, p2r * w_points,
         jnp.zeros((B, N2, CK - C - D), f32)], axis=2)
    x1r8 = jnp.concatenate([x1r, jnp.zeros((B, N1, 5), f32)], axis=2)
    x1c8 = jnp.concatenate([xyz1, jnp.zeros((B, 5, N1), f32)], axis=1)

    knn_idx = pl.pallas_call(
        functools.partial(_knn1_body, NS, nbits),
        grid=(B, N1 // _Q),
        in_specs=[
            pl.BlockSpec((1, N2, CK), lambda b, q: (b, 0, 0)),
            pl.BlockSpec((1, CK, _Q), lambda b, q: (b, 0, q)),
        ],
        out_specs=pl.BlockSpec((1, NS, _Q), lambda b, q: (b, 0, q)),
        out_shape=jax.ShapeDtypeStruct((B, NS, N1), jnp.int32),
        scratch_shapes=[pltpu.VMEM((N2, 1), f32)],
    )(c2rows, c1t)

    idx2 = pl.pallas_call(
        functools.partial(_knn2_body, K2),
        grid=(B, N1 // _Q),
        in_specs=[
            pl.BlockSpec((1, N1, 8), lambda b, q: (b, 0, 0)),
            pl.BlockSpec((1, 8, _Q), lambda b, q: (b, 0, q)),
        ],
        out_specs=pl.BlockSpec((1, K2, _Q), lambda b, q: (b, 0, q)),
        out_shape=jax.ShapeDtypeStruct((B, K2, N1), jnp.int32),
        scratch_shapes=[pltpu.VMEM((N1, 1), f32)],
    )(x1r8, x1c8)

    idx2t = jnp.transpose(idx2, (0, 2, 1))
    cc = jax.vmap(lambda p, i: p[i])(x1r, idx2t)
    cv = jax.vmap(lambda v, i: v[i])(vel1, idx2t)
    u = cc / (jnp.linalg.norm(cc, axis=-1, keepdims=True) + 1e-12)
    ATA = (jnp.matmul(jnp.swapaxes(u, -1, -2), u)
           + 1e-06 * jnp.eye(3, dtype=u.dtype))
    ATb = jnp.matmul(jnp.swapaxes(u, -1, -2), cv[..., None])
    v_world = jnp.linalg.solve(ATA, ATb)[..., 0]
    u_pc1 = x1r / (jnp.linalg.norm(x1r, axis=-1, keepdims=True) + 1e-12)
    recon = jnp.sum(v_world * u_pc1, -1)
    err = jnp.abs(recon - vel1)
    wrigid = jnp.where(err <= 5.0, f32(0.9), f32(0.1))

    table = jnp.concatenate(
        [p2r, x2r, jnp.zeros((B, N2, 80 - D - C), f32)], axis=2)
    idx = jnp.transpose(knn_idx, (0, 2, 1))
    gathered = jax.vmap(lambda t, i: t[i])(table, idx)

    w0t = jnp.concatenate(
        [jnp.transpose(W0), jnp.zeros((144 - (2 * D + C), 128), f32)],
        axis=0)
    w1t = jnp.transpose(W1)
    a1t = jnp.transpose(wn_W1)
    a2t = jnp.transpose(wn_W2)
    a3t = jnp.transpose(wn_W3)
    wrc = wrigid[:, :, None]

    out = pl.pallas_call(
        functools.partial(_mlp_body, _QM),
        grid=(B, N1 // _QM),
        in_specs=[
            pl.BlockSpec((1, _QM, NS, 80), lambda b, q: (b, q, 0, 0)),
            pl.BlockSpec((1, _QM, D), lambda b, q: (b, q, 0)),
            pl.BlockSpec((1, _QM, 8), lambda b, q: (b, q, 0)),
            pl.BlockSpec((1, _QM, 1), lambda b, q: (b, q, 0)),
            pl.BlockSpec((144, 128), lambda b, q: (0, 0)),
            pl.BlockSpec((1, 128), lambda b, q: (0, 0)),
            pl.BlockSpec((128, 128), lambda b, q: (0, 0)),
            pl.BlockSpec((1, 128), lambda b, q: (0, 0)),
            pl.BlockSpec((3, 8), lambda b, q: (0, 0)),
            pl.BlockSpec((1, 8), lambda b, q: (0, 0)),
            pl.BlockSpec((8, 8), lambda b, q: (0, 0)),
            pl.BlockSpec((1, 8), lambda b, q: (0, 0)),
            pl.BlockSpec((8, 128), lambda b, q: (0, 0)),
            pl.BlockSpec((1, 128), lambda b, q: (0, 0)),
        ],
        out_specs=pl.BlockSpec((1, _QM, 128), lambda b, q: (b, q, 0)),
        out_shape=jax.ShapeDtypeStruct((B, N1, 128), f32),
    )(gathered, p1r, x1r8, wrc, w0t, b0[None, :], w1t, b1[None, :],
      a1t, wn_b1[None, :], a2t, wn_b2[None, :], a3t, wn_b3[None, :])

    return jnp.transpose(out, (0, 2, 1))

# --- scband reference (transcript-rebuilt; emitter-appended) ---
"""Pipeline reference for scband-feature-correlator-37168646979719 (READ-ONLY COPY).

The authoritative reference and input builder live on the scoring server;
editing this copy changes nothing except your own understanding.
"""

import jax, jax.numpy as jnp
import numpy as np

NSAMPLE = 16
B, N1, N2, C, D = 2, 4096, 4096, 3, 64


def square_distance(src, dst):
    dist = -2.0 * jnp.matmul(src, jnp.swapaxes(dst, 1, 2))
    dist = dist + jnp.sum(src ** 2, -1)[:, :, None]
    dist = dist + jnp.sum(dst ** 2, -1)[:, None, :]
    return jnp.maximum(dist, 0.0)


def knn_point(nsample, xyz, new_xyz):
    sqrdists = square_distance(new_xyz, xyz)
    _, group_idx = jax.lax.top_k(-sqrdists, nsample)
    return group_idx


def index_points_group(points, knn_idx):
    # points: [B, N, C], knn_idx: [B, S, K] -> [B, S, K, C]
    return jax.vmap(lambda p, i: p[i])(points, knn_idx)


def conv1x1(x, W, b):
    # x: [B, Cin, K, N], W: [Cout, Cin], b: [Cout]
    return jnp.einsum('oc,bckn->bokn', W, x) + b[None, :, None, None]


def leaky_relu(x):
    return jnp.where(x >= 0, x, 0.1 * x)


def weightnet(x, params):
    for (W, b) in params:
        x = jax.nn.relu(conv1x1(x, W, b))
    return x


def custom_cluster_pc1(pc1, vel1, K=8):
    idx = knn_point(K, pc1, pc1)
    coords = jax.vmap(lambda p, i: p[i])(pc1, idx)
    vel = jax.vmap(lambda v, i: v[i])(vel1, idx)
    return coords, vel


def rigid_velocity_regression(cc, cv, vel1, pc1):
    u = cc / (jnp.linalg.norm(cc, axis=-1, keepdims=True) + 1e-12)
    A = u
    ATA = jnp.matmul(jnp.swapaxes(A, -1, -2), A) + 1e-06 * jnp.eye(3, dtype=A.dtype)
    ATb = jnp.matmul(jnp.swapaxes(A, -1, -2), cv[..., None])
    v_world = jnp.linalg.solve(ATA, ATb)[..., 0]
    u_pc1 = pc1 / (jnp.linalg.norm(pc1, axis=-1, keepdims=True) + 1e-12)
    recon = jnp.sum(v_world * u_pc1, -1)
    err = jnp.abs(recon - vel1)
    mask = err <= 5.0
    return v_world, mask


def _forward(xyz1, xyz2, points1, points2, vel1, vel2, gfeat, w_xyz, w_vel, w_points, W0, b0, W1, b1, wn_W1, wn_b1, wn_W2, wn_b2, wn_W3, wn_b3):
    xyz1t = jnp.transpose(xyz1, (0, 2, 1))
    xyz2t = jnp.transpose(xyz2, (0, 2, 1))
    p1t = jnp.transpose(points1, (0, 2, 1))
    p2t = jnp.transpose(points2, (0, 2, 1))
    cc, cv = custom_cluster_pc1(xyz1t, vel1, K=8)
    v_world, mask = rigid_velocity_regression(cc, cv, vel1, xyz1t)
    f1 = jnp.concatenate([w_xyz * xyz1t, w_points * p1t], axis=-1)
    f2 = jnp.concatenate([w_xyz * xyz2t, w_points * p2t], axis=-1)
    knn_idx = knn_point(NSAMPLE, f2, f1)
    neighbor_xyz = index_points_group(xyz2t, knn_idx)
    direction_xyz = neighbor_xyz - xyz1t[:, :, None, :]
    gp2 = index_points_group(p2t, knn_idx)
    gp1 = jnp.broadcast_to(p1t[:, :, None, :], (B, N1, NSAMPLE, D))
    new_points = jnp.concatenate([gp1, gp2, direction_xyz], axis=-1)
    new_points = jnp.transpose(new_points, (0, 3, 2, 1))
    new_points = leaky_relu(conv1x1(new_points, W0, b0))
    new_points = leaky_relu(conv1x1(new_points, W1, b1))
    wts = weightnet(jnp.transpose(direction_xyz, (0, 3, 2, 1)), [(wn_W1, wn_b1), (wn_W2, wn_b2), (wn_W3, wn_b3)])
    point_to_patch_cost = jnp.sum(wts * new_points, axis=2)
    weights_rigid = jnp.where(mask[:, None, :], 0.9, 0.1)
    return point_to_patch_cost * weights_rigid


def setup_inputs(seed: int = 0):
    key = jax.random.key(seed)
    ks = [jax.random.fold_in(key, i) for i in range(20)]
    inp = {}
    inp['xyz1'] = jax.random.normal(ks[0], (B, C, N1), jnp.float32)
    inp['xyz2'] = jax.random.normal(ks[1], (B, C, N2), jnp.float32)
    inp['points1'] = jax.random.normal(ks[2], (B, D, N1), jnp.float32)
    inp['points2'] = jax.random.normal(ks[3], (B, D, N2), jnp.float32)
    inp['vel1'] = jax.random.normal(ks[4], (B, N1), jnp.float32)
    inp['vel2'] = jax.random.normal(ks[5], (B, N2), jnp.float32)
    inp['mask1'] = jnp.ones((B, N1), dtype=bool)
    inp['mask2'] = jnp.ones((B, N2), dtype=bool)
    inp['generator'] = 0
    inp['gfeat'] = jax.random.normal(ks[6], (B, 128), jnp.float32)
    inp['w_xyz'] = jnp.float32(0.4)
    inp['w_vel'] = jnp.float32(0.2)
    inp['w_points'] = jnp.float32(0.4)
    cin = 2 * D + 3
    inp['W0'] = jax.random.normal(ks[7], (128, cin), jnp.float32) / np.sqrt(cin)
    inp['b0'] = jnp.zeros((128,), jnp.float32)
    inp['W1'] = jax.random.normal(ks[8], (128, 128), jnp.float32) / np.sqrt(128)
    inp['b1'] = jnp.zeros((128,), jnp.float32)
    inp['wn_W1'] = jax.random.normal(ks[9], (8, 3), jnp.float32) / np.sqrt(3)
    inp['wn_b1'] = jnp.zeros((8,), jnp.float32)
    inp['wn_W2'] = jax.random.normal(ks[10], (8, 8), jnp.float32) / np.sqrt(8)
    inp['wn_b2'] = jnp.zeros((8,), jnp.float32)
    inp['wn_W3'] = jax.random.normal(ks[11], (128, 8), jnp.float32) / np.sqrt(8)
    inp['wn_b3'] = jnp.zeros((128,), jnp.float32)
    return inp


def reference(xyz1, xyz2, points1, points2, vel1, vel2, mask1, mask2, generator, gfeat, w_xyz, w_vel, w_points, W0, b0, W1, b1, wn_W1, wn_b1, wn_W2, wn_b2, wn_W3, wn_b3):
    return _forward(xyz1, xyz2, points1, points2, vel1, vel2, gfeat, w_xyz, w_vel, w_points, W0, b0, W1, b1, wn_W1, wn_b1, wn_W2, wn_b2, wn_W3, wn_b3)

if __name__ == "__main__":
    import jax
    _d = setup_inputs()
    print(jax.jit(kernel)(*tuple(_d.values())))

</pallas_src>

<mosaic_0001>
module attributes {stable_mosaic.version = 14 : i64} {
  func.func @_knn2_body(%arg0: i32, %arg1: i32, %arg2: memref<1x4096x8xf32, #tpu.memory_space<vmem>>, %arg3: memref<1x8x128xf32, #tpu.memory_space<vmem>>, %arg4: memref<1x8x128xi32, #tpu.memory_space<vmem>>, %arg5: memref<4096x1xf32, #tpu.memory_space<vmem>>) attributes {dimension_semantics = [#tpu.dimension_semantics<arbitrary>, #tpu.dimension_semantics<arbitrary>], iteration_bounds = array<i64: 2, 32>, scalar_prefetch = 0 : i64, scratch_operands = 1 : i64, tpu.core_type = #tpu.core_type<tc>, window_params = [{transform_indices = @transform_0, window_bounds = array<i64: 1, 4096, 8>}, {transform_indices = @transform_1, window_bounds = array<i64: 1, 8, 128>}, {transform_indices = @transform_2, window_bounds = array<i64: 1, 8, 128>}]} {
    %eq3A = arith.constant 0 : i32
    %eq3A_0 = arith.cmpi eq, %arg1, %eq3A : i32
    %convert_element_type3A = arith.extui %eq3A_0 : i1 to i32
    %cond3A = arith.constant 0 : i32
    %cond3A_1 = arith.cmpi ne, %convert_element_type3A, %cond3A : i32
    scf.if %cond3A_1 {
      %get3A_136 = arith.constant 0 : index
      %get3A_137 = arith.constant 0 : index
      %get3A_138 = arith.constant 0 : index
      %get3A_139 = vector.load %arg2[%get3A_136, %get3A_137, %get3A_138] : memref<1x4096x8xf32, #tpu.memory_space<vmem>>, vector<1x4096x8xf32>
      %get3A_140 = vector.shape_cast %get3A_139 : vector<1x4096x8xf32> to vector<4096x8xf32>
      %mul3A_141 = arith.mulf %get3A_140, %get3A_140 : vector<4096x8xf32>
      %reduce_sum3A_142 = arith.constant dense<0.000000e+00> : vector<4096xf32>
      %reduce_sum3A_143 = vector.multi_reduction <add>, %mul3A_141, %reduce_sum3A_142 [1] : vector<4096x8xf32> to vector<4096xf32>
      %broadcast_in_dim3A_144 = vector.shape_cast %reduce_sum3A_143 : vector<4096xf32> to vector<4096x1xf32>
      %swap3A_145 = arith.constant 0 : index
      %swap3A_146 = arith.constant 0 : index
      %swap3A_147 = vector.load %arg5[%swap3A_145, %swap3A_146] : memref<4096x1xf32, #tpu.memory_space<vmem>>, vector<4096x1xf32>
      tpu.vector_store %arg5[%swap3A_145, %swap3A_146], %broadcast_in_dim3A_144 {strides = array<i32>} : memref<4096x1xf32, #tpu.memory_space<vmem>>, vector<4096x1xf32>,
    } else {
    }
    %get3A = arith.constant 0 : index
    %get3A_2 = arith.constant 0 : index
    %get3A_3 = arith.constant 0 : index
    %get3A_4 = vector.load %arg3[%get3A, %get3A_2, %get3A_3] : memref<1x8x128xf32, #tpu.memory_space<vmem>>, vector<1x8x128xf32>
    %get3A_5 = vector.shape_cast %get3A_4 : vector<1x8x128xf32> to vector<8x128xf32>
    %mul3A = arith.mulf %get3A_5, %get3A_5 : vector<8x128xf32>
    %reduce_sum3A = arith.constant dense<0.000000e+00> : vector<128xf32>
    %reduce_sum3A_6 = vector.multi_reduction <add>, %mul3A, %reduce_sum3A [0] : vector<8x128xf32> to vector<128xf32>
    %broadcast_in_dim3A = vector.shape_cast %reduce_sum3A_6 : vector<128xf32> to vector<1x128xf32>
    %get3A_7 = arith.constant 0 : index
    %get3A_8 = arith.constant 0 : index
    %get3A_9 = arith.constant 0 : index
    %get3A_10 = vector.load %arg2[%get3A_7, %get3A_8, %get3A_9] : memref<1x4096x8xf32, #tpu.memory_space<vmem>>, vector<1x4096x8xf32>
    %get3A_11 = vector.shape_cast %get3A_10 : vector<1x4096x8xf32> to vector<4096x8xf32>
    %dot_general3A = arith.constant dense<0.000000e+00> : vector<4096x128xf32>
    %dot_general3A_12 = tpu.matmul %get3A_11, %get3A_5, %dot_general3A {dimension_numbers = #tpu.dot_dimension_numbers<[1], [0], [0], [1], [0, 0, 1, 1], [], []>, transpose_lhs_hint = false} : vector<4096x8xf32>, vector<8x128xf32>, vector<4096x128xf32> -> vector<4096x128xf32>
    %mul3A_13 = arith.constant -2.000000e+00 : f32
    %mul3A_14 = vector.broadcast %mul3A_13 : f32 to vector<4096x128xf32>
    %mul3A_15 = arith.mulf %mul3A_14, %dot_general3A_12 : vector<4096x128xf32>
    %add3A = vector.broadcast %broadcast_in_dim3A : vector<1x128xf32> to vector<4096x128xf32>
    %add3A_16 = arith.addf %mul3A_15, %add3A : vector<4096x128xf32>
    %get3A_17 = arith.constant 0 : index
    %get3A_18 = arith.constant 0 : index
    %get3A_19 = vector.load %arg5[%get3A_17, %get3A_18] : memref<4096x1xf32, #tpu.memory_space<vmem>>, vector<4096x1xf32>
    %add3A_20 = vector.broadcast %get3A_19 : vector<4096x1xf32> to vector<4096x128xf32>
    %add3A_21 = arith.addf %add3A_16, %add3A_20 : vector<4096x128xf32>
    %bitcast_convert_type3A = tpu.bitcast %add3A_21 : vector<4096x128xf32> -> vector<4096x128xi32>
    %shift_right_arithmetic3A = arith.constant 31 : i32
    %shift_right_arithmetic3A_22 = vector.broadcast %shift_right_arithmetic3A : i32 to vector<4096x128xi32>
    %shift_right_arithmetic3A_23 = arith.shrsi %bitcast_convert_type3A, %shift_right_arithmetic3A_22 : vector<4096x128xi32>
    %and3A = arith.constant 2147483647 : i32
    %and3A_24 = vector.broadcast %and3A : i32 to vector<4096x128xi32>
    %and3A_25 = arith.andi %shift_right_arithmetic3A_23, %and3A_24 : vector<4096x128xi32>
    %xor3A = arith.xori %bitcast_convert_type3A, %and3A_25 : vector<4096x128xi32>
    %iota3A = tpu.iota {dimensions = array<i32: 0>} : vector<4096x128xi32>
    %reduce_min3A = arith.constant dense<2147483647> : vector<128xi32>
    %reduce_min3A_26 = vector.multi_reduction <minsi>, %xor3A, %reduce_min3A [0] : vector<4096x128xi32> to vector<128xi32>
    %broadcast_in_dim3A_27 = vector.shape_cast %reduce_min3A_26 : vector<128xi32> to vector<1x128xi32>
    %eq3A_28 = vector.broadcast %broadcast_in_dim3A_27 : vector<1x128xi32> to vector<4096x128xi32>
    %eq3A_29 = arith.cmpi eq, %xor3A, %eq3A_28 : vector<4096x128xi32>
    %jit3A = arith.constant 2147483647 : i32
    %broadcast_in_dim3A_30 = vector.broadcast %jit3A : i32 to vector<4096x128xi32>
    %select_n3A = arith.select %eq3A_29, %iota3A, %broadcast_in_dim3A_30 : vector<4096x128xi1>, vector<4096x128xi32>
    %reduce_min3A_31 = arith.constant dense<2147483647> : vector<128xi32>
    %reduce_min3A_32 = vector.multi_reduction <minsi>, %select_n3A, %reduce_min3A_31 [0] : vector<4096x128xi32> to vector<128xi32>
    %jit3A_33 = arith.constant 2147483647 : i32
    %broadcast_in_dim3A_34 = vector.broadcast %jit3A_33 : i32 to vector<4096x128xi32>
    %select_n3A_35 = arith.select %eq3A_29, %broadcast_in_dim3A_34, %xor3A : vector<4096x128xi1>, vector<4096x128xi32>
    %reduce_min3A_36 = arith.constant dense<2147483647> : vector<128xi32>
    %reduce_min3A_37 = vector.multi_reduction <minsi>, %select_n3A_35, %reduce_min3A_36 [0] : vector<4096x128xi32> to vector<128xi32>
    %broadcast_in_dim3A_38 = vector.shape_cast %reduce_min3A_37 : vector<128xi32> to vector<1x128xi32>
    %eq3A_39 = vector.broadcast %broadcast_in_dim3A_38 : vector<1x128xi32> to vector<4096x128xi32>
    %eq3A_40 = arith.cmpi eq, %select_n3A_35, %eq3A_39 : vector<4096x128xi32>
    %jit3A_41 = arith.constant 2147483647 : i32
    %broadcast_in_dim3A_42 = vector.broadcast %jit3A_41 : i32 to vector<4096x128xi32>
    %select_n3A_43 = arith.select %eq3A_40, %iota3A, %broadcast_in_dim3A_42 : vector<4096x128xi1>, vector<4096x128xi32>
    %reduce_min3A_44 = arith.constant dense<2147483647> : vector<128xi32>
    %reduce_min3A_45 = vector.multi_reduction <minsi>, %select_n3A_43, %reduce_min3A_44 [0] : vector<4096x128xi32> to vector<128xi32>
    %jit3A_46 = arith.constant 2147483647 : i32
    %broadcast_in_dim3A_47 = vector.broadcast %jit3A_46 : i32 to vector<4096x128xi32>
    %select_n3A_48 = arith.select %eq3A_40, %broadcast_in_dim3A_47, %select_n3A_35 : vector<4096x128xi1>, vector<4096x128xi32>
    %reduce_min3A_49 = arith.constant dense<2147483647> : vector<128xi32>
    %reduce_min3A_50 = vector.multi_reduction <minsi>, %select_n3A_48, %reduce_min3A_49 [0] : vector<4096x128xi32> to vector<128xi32>
    %broadcast_in_dim3A_51 = vector.shape_cast %reduce_min3A_50 : vector<128xi32> to vector<1x128xi32>
    %eq3A_52 = vector.broadcast %broadcast_in_dim3A_51 : vector<1x128xi32> to vector<4096x128xi32>
    %eq3A_53 = arith.cmpi eq, %select_n3A_48, %eq3A_52 : vector<4096x128xi32>
    %jit3A_54 = arith.constant 2147483647 : i32
    %broadcast_in_dim3A_55 = vector.broadcast %jit3A_54 : i32 to vector<4096x128xi32>
    %select_n3A_56 = arith.select %eq3A_53, %iota3A, %broadcast_in_dim3A_55 : vector<4096x128xi1>, vector<4096x128xi32>
    %reduce_min3A_57 = arith.constant dense<2147483647> : vector<128xi32>
    %reduce_min3A_58 = vector.multi_reduction <minsi>, %select_n3A_56, %reduce_min3A_57 [0] : vector<4096x128xi32> to vector<128xi32>
    %jit3A_59 = arith.constant 2147483647 : i32
    %broadcast_in_dim3A_60 = vector.broadcast %jit3A_59 : i32 to vector<4096x128xi32>
    %select_n3A_61 = arith.select %eq3A_53, %broadcast_in_dim3A_60, %select_n3A_48 : vector<4096x128xi1>, vector<4096x128xi32>
    %reduce_min3A_62 = arith.constant dense<2147483647> : vector<128xi32>
    %reduce_min3A_63 = vector.multi_reduction <minsi>, %select_n3A_61, %reduce_min3A_62 [0] : vector<4096x128xi32> to vector<128xi32>
    %broadcast_in_dim3A_64 = vector.shape_cast %reduce_min3A_63 : vector<128xi32> to vector<1x128xi32>
    %eq3A_65 = vector.broadcast %broadcast_in_dim3A_64 : vector<1x128xi32> to vector<4096x128xi32>
    %eq3A_66 = arith.cmpi eq, %select_n3A_61, %eq3A_65 : vector<4096x128xi32>
    %jit3A_67 = arith.constant 2147483647 : i32
    %broadcast_in_dim3A_68 = vector.broadcast %jit3A_67 : i32 to vector<4096x128xi32>
    %select_n3A_69 = arith.select %eq3A_66, %iota3A, %broadcast_in_dim3A_68 : vector<4096x128xi1>, vector<4096x128xi32>
    %reduce_min3A_70 = arith.constant dense<2147483647> : vector<128xi32>
    %reduce_min3A_71 = vector.multi_reduction <minsi>, %select_n3A_69, %reduce_min3A_70 [0] : vector<4096x128xi32> to vector<128xi32>
    %jit3A_72 = arith.constant 2147483647 : i32
    %broadcast_in_dim3A_73 = vector.broadcast %jit3A_72 : i32 to vector<4096x128xi32>
    %select_n3A_74 = arith.select %eq3A_66, %broadcast_in_dim3A_73, %select_n3A_61 : vector<4096x128xi1>, vector<4096x128xi32>
    %reduce_min3A_75 = arith.constant dense<2147483647> : vector<128xi32>
    %reduce_min3A_76 = vector.multi_reduction <minsi>, %select_n3A_74, %reduce_min3A_75 [0] : vector<4096x128xi32> to vector<128xi32>
    %broadcast_in_dim3A_77 = vector.shape_cast %reduce_min3A_76 : vector<128xi32> to vector<1x128xi32>
    %eq3A_78 = vector.broadcast %broadcast_in_dim3A_77 : vector<1x128xi32> to vector<4096x128xi32>
    %eq3A_79 = arith.cmpi eq, %select_n3A_74, %eq3A_78 : vector<4096x128xi32>
    %jit3A_80 = arith.constant 2147483647 : i32
    %broadcast_in_dim3A_81 = vector.broadcast %jit3A_80 : i32 to vector<4096x128xi32>
    %select_n3A_82 = arith.select %eq3A_79, %iota3A, %broadcast_in_dim3A_81 : vector<4096x128xi1>, vector<4096x128xi32>
    %reduce_min3A_83 = arith.constant dense<2147483647> : vector<128xi32>
    %reduce_min3A_84 = vector.multi_reduction <minsi>, %select_n3A_82, %reduce_min3A_83 [0] : vector<4096x128xi32> to vector<128xi32>
    %jit3A_85 = arith.constant 2147483647 : i32
    %broadcast_in_dim3A_86 = vector.broadcast %jit3A_85 : i32 to vector<4096x128xi32>
    %select_n3A_87 = arith.select %eq3A_79, %broadcast_in_dim3A_86, %select_n3A_74 : vector<4096x128xi1>, vector<4096x128xi32>
    %reduce_min3A_88 = arith.constant dense<2147483647> : vector<128xi32>
    %reduce_min3A_89 = vector.multi_reduction <minsi>, %select_n3A_87, %reduce_min3A_88 [0] : vector<4096x128xi32> to vector<128xi32>
    %broadcast_in_dim3A_90 = vector.shape_cast %reduce_min3A_89 : vector<128xi32> to vector<1x128xi32>
    %eq3A_91 = vector.broadcast %broadcast_in_dim3A_90 : vector<1x128xi32> to vector<4096x128xi32>
    %eq3A_92 = arith.cmpi eq, %select_n3A_87, %eq3A_91 : vector<4096x128xi32>
    %jit3A_93 = arith.constant 2147483647 : i32
    %broadcast_in_dim3A_94 = vector.broadcast %jit3A_93 : i32 to vector<4096x128xi32>
    %select_n3A_95 = arith.select %eq3A_92, %iota3A, %broadcast_in_dim3A_94 : vector<4096x128xi1>, vector<4096x128xi32>
    %reduce_min3A_96 = arith.constant dense<2147483647> : vector<128xi32>
    %reduce_min3A_97 = vector.multi_reduction <minsi>, %select_n3A_95, %reduce_min3A_96 [0] : vector<4096x128xi32> to vector<128xi32>
    %jit3A_98 = arith.constant 2147483647 : i32
    %broadcast_in_dim3A_99 = vector.broadcast %jit3A_98 : i32 to vector<4096x128xi32>
    %select_n3A_100 = arith.select %eq3A_92, %broadcast_in_dim3A_99, %select_n3A_87 : vector<4096x128xi1>, vector<4096x128xi32>
    %reduce_min3A_101 = arith.constant dense<2147483647> : vector<128xi32>
    %reduce_min3A_102 = vector.multi_reduction <minsi>, %select_n3A_100, %reduce_min3A_101 [0] : vector<4096x128xi32> to vector<128xi32>
    %broadcast_in_dim3A_103 = vector.shape_cast %reduce_min3A_102 : vector<128xi32> to vector<1x128xi32>
    %eq3A_104 = vector.broadcast %broadcast_in_dim3A_103 : vector<1x128xi32> to vector<4096x128xi32>
    %eq3A_105 = arith.cmpi eq, %select_n3A_100, %eq3A_104 : vector<4096x128xi32>
    %jit3A_106 = arith.constant 2147483647 : i32
    %broadcast_in_dim3A_107 = vector.broadcast %jit3A_106 : i32 to vector<4096x128xi32>
    %select_n3A_108 = arith.select %eq3A_105, %iota3A, %broadcast_in_dim3A_107 : vector<4096x128xi1>, vector<4096x128xi32>
    %reduce_min3A_109 = arith.constant dense<2147483647> : vector<128xi32>
    %reduce_min3A_110 = vector.multi_reduction <minsi>, %select_n3A_108, %reduce_min3A_109 [0] : vector<4096x128xi32> to vector<128xi32>
    %jit3A_111 = arith.constant 2147483647 : i32
    %broadcast_in_dim3A_112 = vector.broadcast %jit3A_111 : i32 to vector<4096x128xi32>
    %select_n3A_113 = arith.select %eq3A_105, %broadcast_in_dim3A_112, %select_n3A_100 : vector<4096x128xi1>, vector<4096x128xi32>
    %reduce_min3A_114 = arith.constant dense<2147483647> : vector<128xi32>
    %reduce_min3A_115 = vector.multi_reduction <minsi>, %select_n3A_113, %reduce_min3A_114 [0] : vector<4096x128xi32> to vector<128xi32>
    %broadcast_in_dim3A_116 = vector.shape_cast %reduce_min3A_115 : vector<128xi32> to vector<1x128xi32>
    %eq3A_117 = vector.broadcast %broadcast_in_dim3A_116 : vector<1x128xi32> to vector<4096x128xi32>
    %eq3A_118 = arith.cmpi eq, %select_n3A_113, %eq3A_117 : vector<4096x128xi32>
    %jit3A_119 = arith.constant 2147483647 : i32
    %broadcast_in_dim3A_120 = vector.broadcast %jit3A_119 : i32 to vector<4096x128xi32>
    %select_n3A_121 = arith.select %eq3A_118, %iota3A, %broadcast_in_dim3A_120 : vector<4096x128xi1>, vector<4096x128xi32>
    %reduce_min3A_122 = arith.constant dense<2147483647> : vector<128xi32>
    %reduce_min3A_123 = vector.multi_reduction <minsi>, %select_n3A_121, %reduce_min3A_122 [0] : vector<4096x128xi32> to vector<128xi32>
    %stack3A = vector.shape_cast %reduce_min3A_32 : vector<128xi32> to vector<1x128xi32>
    %stack3A_124 = vector.shape_cast %reduce_min3A_45 : vector<128xi32> to vector<1x128xi32>
    %stack3A_125 = vector.shape_cast %reduce_min3A_58 : vector<128xi32> to vector<1x128xi32>
    %stack3A_126 = vector.shape_cast %reduce_min3A_71 : vector<128xi32> to vector<1x128xi32>
    %stack3A_127 = vector.shape_cast %reduce_min3A_84 : vector<128xi32> to vector<1x128xi32>
    %stack3A_128 = vector.shape_cast %reduce_min3A_97 : vector<128xi32> to vector<1x128xi32>
    %stack3A_129 = vector.shape_cast %reduce_min3A_110 : vector<128xi32> to vector<1x128xi32>
    %stack3A_130 = vector.shape_cast %reduce_min3A_123 : vector<128xi32> to vector<1x128xi32>
    %stack3A_131 = tpu.concatenate %stack3A, %stack3A_124, %stack3A_125, %stack3A_126, %stack3A_127, %stack3A_128, %stack3A_129, %stack3A_130 in 0 : vector<1x128xi32>, vector<1x128xi32>, vector<1x128xi32>, vector<1x128xi32>, vector<1x128xi32>, vector<1x128xi32>, vector<1x128xi32>, vector<1x128xi32> -> vector<8x128xi32>
    %broadcast_in_dim3A_132 = vector.shape_cast %stack3A_131 : vector<8x128xi32> to vector<1x8x128xi32>
    %swap3A = arith.constant 0 : index
    %swap3A_133 = arith.constant 0 : index
    %swap3A_134 = arith.constant 0 : index
    %swap3A_135 = vector.load %arg4[%swap3A, %swap3A_133, %swap3A_134] : memref<1x8x128xi32, #tpu.memory_space<vmem>>, vector<1x8x128xi32>
    tpu.vector_store %arg4[%swap3A, %swap3A_133, %swap3A_134], %broadcast_in_dim3A_132 {strides = array<i32>} : memref<1x8x128xi32, #tpu.memory_space<vmem>>, vector<1x8x128xi32>,
    return
  }
  func.func @transform_0(%arg0: i32, %arg1: i32) -> (i32, i32, i32) {
    %c0_i32 = arith.constant 0 : i32
    %c0_i32_0 = arith.constant 0 : i32
    %c0_i32_1 = arith.constant 0 : i32
    return %arg0, %c0_i32, %c0_i32_0 : i32, i32, i32
  }
  func.func @transform_1(%arg0: i32, %arg1: i32) -> (i32, i32, i32) {
    %c0_i32 = arith.constant 0 : i32
    %c0_i32_0 = arith.constant 0 : i32
    return %arg0, %c0_i32, %arg1 : i32, i32, i32
  }
  func.func @transform_2(%arg0: i32, %arg1: i32) -> (i32, i32, i32) {
    %c0_i32 = arith.constant 0 : i32
    %c0_i32_0 = arith.constant 0 : i32
    return %arg0, %c0_i32, %arg1 : i32, i32, i32
  }
}

module attributes {stable_mosaic.version = 14 : i64} {
  func.func @_knn1_body(%arg0: i32, %arg1: i32, %arg2: memref<1x4096x128xf32, #tpu.memory_space<vmem>>, %arg3: memref<1x128x128xf32, #tpu.memory_space<vmem>>, %arg4: memref<1x16x128xi32, #tpu.memory_space<vmem>>, %arg5: memref<4096x1xf32, #tpu.memory_space<vmem>>) attributes {dimension_semantics = [#tpu.dimension_semantics<arbitrary>, #tpu.dimension_semantics<arbitrary>], iteration_bounds = array<i64: 2, 32>, scalar_prefetch = 0 : i64, scratch_operands = 1 : i64, tpu.core_type = #tpu.core_type<tc>, window_params = [{transform_indices = @transform_0, window_bounds = array<i64: 1, 4096, 128>}, {transform_indices = @transform_1, window_bounds = array<i64: 1, 128, 128>}, {transform_indices = @transform_2, window_bounds = array<i64: 1, 16, 128>}]} {
    %eq3A = arith.constant 0 : i32
    %eq3A_0 = arith.cmpi eq, %arg1, %eq3A : i32
    %convert_element_type3A = arith.extui %eq3A_0 : i1 to i32
    %cond3A = arith.constant 0 : i32
    %cond3A_1 = arith.cmpi ne, %convert_element_type3A, %cond3A : i32
    scf.if %cond3A_1 {
      %get3A_243 = arith.constant 0 : index
      %get3A_244 = arith.constant 0 : index
      %get3A_245 = arith.constant 0 : index
      %get3A_246 = vector.load %arg2[%get3A_243, %get3A_244, %get3A_245] : memref<1x4096x128xf32, #tpu.memory_space<vmem>>, vector<1x4096x128xf32>
      %get3A_247 = vector.shape_cast %get3A_246 : vector<1x4096x128xf32> to vector<4096x128xf32>
      %mul3A_248 = arith.mulf %get3A_247, %get3A_247 : vector<4096x128xf32>
      %reduce_sum3A = arith.constant dense<0.000000e+00> : vector<4096xf32>
      %reduce_sum3A_249 = vector.multi_reduction <add>, %mul3A_248, %reduce_sum3A [1] : vector<4096x128xf32> to vector<4096xf32>
      %broadcast_in_dim3A_250 = vector.shape_cast %reduce_sum3A_249 : vector<4096xf32> to vector<4096x1xf32>
      %swap3A_251 = arith.constant 0 : index
      %swap3A_252 = arith.constant 0 : index
      %swap3A_253 = vector.load %arg5[%swap3A_251, %swap3A_252] : memref<4096x1xf32, #tpu.memory_space<vmem>>, vector<4096x1xf32>
      tpu.vector_store %arg5[%swap3A_251, %swap3A_252], %broadcast_in_dim3A_250 {strides = array<i32>} : memref<4096x1xf32, #tpu.memory_space<vmem>>, vector<4096x1xf32>,
    } else {
    }
    %get3A = arith.constant 0 : index
    %get3A_2 = arith.constant 0 : index
    %get3A_3 = arith.constant 0 : index
    %get3A_4 = vector.load %arg3[%get3A, %get3A_2, %get3A_3] : memref<1x128x128xf32, #tpu.memory_space<vmem>>, vector<1x128x128xf32>
    %get3A_5 = vector.shape_cast %get3A_4 : vector<1x128x128xf32> to vector<128x128xf32>
    %get3A_6 = arith.constant 0 : index
    %get3A_7 = arith.constant 0 : index
    %get3A_8 = vector.load %arg5[%get3A_6, %get3A_7] : memref<4096x1xf32, #tpu.memory_space<vmem>>, vector<4096x1xf32>
    %get3A_9 = arith.constant 0 : index
    %get3A_10 = arith.constant 0 : index
    %get3A_11 = arith.constant 0 : index
    %get3A_12 = vector.load %arg2[%get3A_9, %get3A_10, %get3A_11] : memref<1x4096x128xf32, #tpu.memory_space<vmem>>, vector<1x4096x128xf32>
    %get3A_13 = vector.shape_cast %get3A_12 : vector<1x4096x128xf32> to vector<4096x128xf32>
    %dot_general3A = arith.constant dense<0.000000e+00> : vector<4096x128xf32>
    %dot_general3A_14 = tpu.matmul %get3A_13, %get3A_5, %dot_general3A {dimension_numbers = #tpu.dot_dimension_numbers<[1], [0], [0], [1], [0, 0, 1, 1], [], []>, transpose_lhs_hint = false} : vector<4096x128xf32>, vector<128x128xf32>, vector<4096x128xf32> -> vector<4096x128xf32>
    %mul3A = arith.constant 2.000000e+00 : f32
    %mul3A_15 = vector.broadcast %mul3A : f32 to vector<4096x128xf32>
    %mul3A_16 = arith.mulf %mul3A_15, %dot_general3A_14 : vector<4096x128xf32>
    %sub3A = vector.broadcast %get3A_8 : vector<4096x1xf32> to vector<4096x128xf32>
    %sub3A_17 = arith.subf %sub3A, %mul3A_16 : vector<4096x128xf32>
    %bitcast_convert_type3A = tpu.bitcast %sub3A_17 : vector<4096x128xf32> -> vector<4096x128xi32>
    %shift_right_arithmetic3A = arith.constant 31 : i32
    %shift_right_arithmetic3A_18 = vector.broadcast %shift_right_arithmetic3A : i32 to vector<4096x128xi32>
    %shift_right_arithmetic3A_19 = arith.shrsi %bitcast_convert_type3A, %shift_right_arithmetic3A_18 : vector<4096x128xi32>
    %and3A = arith.constant 2147483647 : i32
    %and3A_20 = vector.broadcast %and3A : i32 to vector<4096x128xi32>
    %and3A_21 = arith.andi %shift_right_arithmetic3A_19, %and3A_20 : vector<4096x128xi32>
    %xor3A = arith.xori %bitcast_convert_type3A, %and3A_21 : vector<4096x128xi32>
    %iota3A = tpu.iota {dimensions = array<i32: 0>} : vector<4096x128xi32>
    %reduce_min3A = arith.constant dense<2147483647> : vector<128xi32>
    %reduce_min3A_22 = vector.multi_reduction <minsi>, %xor3A, %reduce_min3A [0] : vector<4096x128xi32> to vector<128xi32>
    %broadcast_in_dim3A = vector.shape_cast %reduce_min3A_22 : vector<128xi32> to vector<1x128xi32>
    %eq3A_23 = vector.broadcast %broadcast_in_dim3A : vector<1x128xi32> to vector<4096x128xi32>
    %eq3A_24 = arith.cmpi eq, %xor3A, %eq3A_23 : vector<4096x128xi32>
    %jit3A = arith.constant 2147483647 : i32
    %broadcast_in_dim3A_25 = vector.broadcast %jit3A : i32 to vector<4096x128xi32>
    %select_n3A = arith.select %eq3A_24, %iota3A, %broadcast_in_dim3A_25 : vector<4096x128xi1>, vector<4096x128xi32>
    %reduce_min3A_26 = arith.constant dense<2147483647> : vector<128xi32>
    %reduce_min3A_27 = vector.multi_reduction <minsi>, %select_n3A, %reduce_min3A_26 [0] : vector<4096x128xi32> to vector<128xi32>
    %jit3A_28 = arith.constant 2147483647 : i32
    %broadcast_in_dim3A_29 = vector.broadcast %jit3A_28 : i32 to vector<4096x128xi32>
    %select_n3A_30 = arith.select %eq3A_24, %broadcast_in_dim3A_29, %xor3A : vector<4096x128xi1>, vector<4096x128xi32>
    %reduce_min3A_31 = arith.constant dense<2147483647> : vector<128xi32>
    %reduce_min3A_32 = vector.multi_reduction <minsi>, %select_n3A_30, %reduce_min3A_31 [0] : vector<4096x128xi32> to vector<128xi32>
    %broadcast_in_dim3A_33 = vector.shape_cast %reduce_min3A_32 : vector<128xi32> to vector<1x128xi32>
    %eq3A_34 = vector.broadcast %broadcast_in_dim3A_33 : vector<1x128xi32> to vector<4096x128xi32>
    %eq3A_35 = arith.cmpi eq, %select_n3A_30, %eq3A_34 : vector<4096x128xi32>
    %jit3A_36 = arith.constant 2147483647 : i32
    %broadcast_in_dim3A_37 = vector.broadcast %jit3A_36 : i32 to vector<4096x128xi32>
    %select_n3A_38 = arith.select %eq3A_35, %iota3A, %broadcast_in_dim3A_37 : vector<4096x128xi1>, vector<4096x128xi32>
    %reduce_min3A_39 = arith.constant dense<2147483647> : vector<128xi32>
    %reduce_min3A_40 = vector.multi_reduction <minsi>, %select_n3A_38, %reduce_min3A_39 [0] : vector<4096x128xi32> to vector<128xi32>
    %jit3A_41 = arith.constant 2147483647 : i32
    %broadcast_in_dim3A_42 = vector.broadcast %jit3A_41 : i32 to vector<4096x128xi32>
    %select_n3A_43 = arith.select %eq3A_35, %broadcast_in_dim3A_42, %select_n3A_30 : vector<4096x128xi1>, vector<4096x128xi32>
    %reduce_min3A_44 = arith.constant dense<2147483647> : vector<128xi32>
    %reduce_min3A_45 = vector.multi_reduction <minsi>, %select_n3A_43, %reduce_min3A_44 [0] : vector<4096x128xi32> to vector<128xi32>
    %broadcast_in_dim3A_46 = vector.shape_cast %reduce_min3A_45 : vector<128xi32> to vector<1x128xi32>
    %eq3A_47 = vector.broadcast %broadcast_in_dim3A_46 : vector<1x128xi32> to vector<4096x128xi32>
    %eq3A_48 = arith.cmpi eq, %select_n3A_43, %eq3A_47 : vector<4096x128xi32>
    %jit3A_49 = arith.constant 2147483647 : i32
    %broadcast_in_dim3A_50 = vector.broadcast %jit3A_49 : i32 to vector<4096x128xi32>
    %select_n3A_51 = arith.select %eq3A_48, %iota3A, %broadcast_in_dim3A_50 : vector<4096x128xi1>, vector<4096x128xi32>
    %reduce_min3A_52 = arith.constant dense<2147483647> : vector<128xi32>
    %reduce_min3A_53 = vector.multi_reduction <minsi>, %select_n3A_51, %reduce_min3A_52 [0] : vector<4096x128xi32> to vector<128xi32>
    %jit3A_54 = arith.constant 2147483647 : i32
    %broadcast_in_dim3A_55 = vector.broadcast %jit3A_54 : i32 to vector<4096x128xi32>
    %select_n3A_56 = arith.select %eq3A_48, %broadcast_in_dim3A_55, %select_n3A_43 : vector<4096x128xi1>, vector<4096x128xi32>
    %reduce_min3A_57 = arith.constant dense<2147483647> : vector<128xi32>
    %reduce_min3A_58 = vector.multi_reduction <minsi>, %select_n3A_56, %reduce_min3A_57 [0] : vector<4096x128xi32> to vector<128xi32>
    %broadcast_in_dim3A_59 = vector.shape_cast %reduce_min3A_58 : vector<128xi32> to vector<1x128xi32>
    %eq3A_60 = vector.broadcast %broadcast_in_dim3A_59 : vector<1x128xi32> to vector<4096x128xi32>
    %eq3A_61 = arith.cmpi eq, %select_n3A_56, %eq3A_60 : vector<4096x128xi32>
    %jit3A_62 = arith.constant 2147483647 : i32
    %broadcast_in_dim3A_63 = vector.broadcast %jit3A_62 : i32 to vector<4096x128xi32>
    %select_n3A_64 = arith.select %eq3A_61, %iota3A, %broadcast_in_dim3A_63 : vector<4096x128xi1>, vector<4096x128xi32>
    %reduce_min3A_65 = arith.constant dense<2147483647> : vector<128xi32>
    %reduce_min3A_66 = vector.multi_reduction <minsi>, %select_n3A_64, %reduce_min3A_65 [0] : vector<4096x128xi32> to vector<128xi32>
    %jit3A_67 = arith.constant 2147483647 : i32
    %broadcast_in_dim3A_68 = vector.broadcast %jit3A_67 : i32 to vector<4096x128xi32>
    %select_n3A_69 = arith.select %eq3A_61, %broadcast_in_dim3A_68, %select_n3A_56 : vector<4096x128xi1>, vector<4096x128xi32>
    %reduce_min3A_70 = arith.constant dense<2147483647> : vector<128xi32>
    %reduce_min3A_71 = vector.multi_reduction <minsi>, %select_n3A_69, %reduce_min3A_70 [0] : vector<4096x128xi32> to vector<128xi32>
    %broadcast_in_dim3A_72 = vector.shape_cast %reduce_min3A_71 : vector<128xi32> to vector<1x128xi32>
    %eq3A_73 = vector.broadcast %broadcast_in_dim3A_72 : vector<1x128xi32> to vector<4096x128xi32>
    %eq3A_74 = arith.cmpi eq, %select_n3A_69, %eq3A_73 : vector<4096x128xi32>
    %jit3A_75 = arith.constant 2147483647 : i32
    %broadcast_in_dim3A_76 = vector.broadcast %jit3A_75 : i32 to vector<4096x128xi32>
    %select_n3A_77 = arith.select %eq3A_74, %iota3A, %broadcast_in_dim3A_76 : vector<4096x128xi1>, vector<4096x128xi32>
    %reduce_min3A_78 = arith.constant dense<2147483647> : vector<128xi32>
    %reduce_min3A_79 = vector.multi_reduction <minsi>, %select_n3A_77, %reduce_min3A_78 [0] : vector<4096x128xi32> to vector<128xi32>
    %jit3A_80 = arith.constant 2147483647 : i32
    %broadcast_in_dim3A_81 = vector.broadcast %jit3A_80 : i32 to vector<4096x128xi32>
    %select_n3A_82 = arith.select %eq3A_74, %broadcast_in_dim3A_81, %select_n3A_69 : vector<4096x128xi1>, vector<4096x128xi32>
    %reduce_min3A_83 = arith.constant dense<2147483647> : vector<128xi32>
    %reduce_min3A_84 = vector.multi_reduction <minsi>, %select_n3A_82, %reduce_min3A_83 [0] : vector<4096x128xi32> to vector<128xi32>
    %broadcast_in_dim3A_85 = vector.shape_cast %reduce_min3A_84 : vector<128xi32> to vector<1x128xi32>
    %eq3A_86 = vector.broadcast %broadcast_in_dim3A_85 : vector<1x128xi32> to vector<4096x128xi32>
    %eq3A_87 = arith.cmpi eq, %select_n3A_82, %eq3A_86 : vector<4096x128xi32>
    %jit3A_88 = arith.constant 2147483647 : i32
    %broadcast_in_dim3A_89 = vector.broadcast %jit3A_88 : i32 to vector<4096x128xi32>
    %select_n3A_90 = arith.select %eq3A_87, %iota3A, %broadcast_in_dim3A_89 : vector<4096x128xi1>, vector<4096x128xi32>
    %reduce_min3A_91 = arith.constant dense<2147483647> : vector<128xi32>
    %reduce_min3A_92 = vector.multi_reduction <minsi>, %select_n3A_90, %reduce_min3A_91 [0] : vector<4096x128xi32> to vector<128xi32>
    %jit3A_93 = arith.constant 2147483647 : i32
    %broadcast_in_dim3A_94 = vector.broadcast %jit3A_93 : i32 to vector<4096x128xi32>
    %select_n3A_95 = arith.select %eq3A_87, %broadcast_in_dim3A_94, %select_n3A_82 : vector<4096x128xi1>, vector<4096x128xi32>
    %reduce_min3A_96 = arith.constant dense<2147483647> : vector<128xi32>
    %reduce_min3A_97 = vector.multi_reduction <minsi>, %select_n3A_95, %reduce_min3A_96 [0] : vector<4096x128xi32> to vector<128xi32>
    %broadcast_in_dim3A_98 = vector.shape_cast %reduce_min3A_97 : vector<128xi32> to vector<1x128xi32>
    %eq3A_99 = vector.broadcast %broadcast_in_dim3A_98 : vector<1x128xi32> to vector<4096x128xi32>
    %eq3A_100 = arith.cmpi eq, %select_n3A_95, %eq3A_99 : vector<4096x128xi32>
    %jit3A_101 = arith.constant 2147483647 : i32
    %broadcast_in_dim3A_102 = vector.broadcast %jit3A_101 : i32 to vector<4096x128xi32>
    %select_n3A_103 = arith.select %eq3A_100, %iota3A, %broadcast_in_dim3A_102 : vector<4096x128xi1>, vector<4096x128xi32>
    %reduce_min3A_104 = arith.constant dense<2147483647> : vector<128xi32>
    %reduce_min3A_105 = vector.multi_reduction <minsi>, %select_n3A_103, %reduce_min3A_104 [0] : vector<4096x128xi32> to vector<128xi32>
    %jit3A_106 = arith.constant 2147483647 : i32
    %broadcast_in_dim3A_107 = vector.broadcast %jit3A_106 : i32 to vector<4096x128xi32>
    %select_n3A_108 = arith.select %eq3A_100, %broadcast_in_dim3A_107, %select_n3A_95 : vector<4096x128xi1>, vector<4096x128xi32>
    %reduce_min3A_109 = arith.constant dense<2147483647> : vector<128xi32>
    %reduce_min3A_110 = vector.multi_reduction <minsi>, %select_n3A_108, %reduce_min3A_109 [0] : vector<4096x128xi32> to vector<128xi32>
    %broadcast_in_dim3A_111 = vector.shape_cast %reduce_min3A_110 : vector<128xi32> to vector<1x128xi32>
    %eq3A_112 = vector.broadcast %broadcast_in_dim3A_111 : vector<1x128xi32> to vector<4096x128xi32>
    %eq3A_113 = arith.cmpi eq, %select_n3A_108, %eq3A_112 : vector<4096x128xi32>
    %jit3A_114 = arith.constant 2147483647 : i32
    %broadcast_in_dim3A_115 = vector.broadcast %jit3A_114 : i32 to vector<4096x128xi32>
    %select_n3A_116 = arith.select %eq3A_113, %iota3A, %broadcast_in_dim3A_115 : vector<4096x128xi1>, vector<4096x128xi32>
    %reduce_min3A_117 = arith.constant dense<2147483647> : vector<128xi32>
    %reduce_min3A_118 = vector.multi_reduction <minsi>, %select_n3A_116, %reduce_min3A_117 [0] : vector<4096x128xi32> to vector<128xi32>
    %jit3A_119 = arith.constant 2147483647 : i32
    %broadcast_in_dim3A_120 = vector.broadcast %jit3A_119 : i32 to vector<4096x128xi32>
    %select_n3A_121 = arith.select %eq3A_113, %broadcast_in_dim3A_120, %select_n3A_108 : vector<4096x128xi1>, vector<4096x128xi32>
    %reduce_min3A_122 = arith.constant dense<2147483647> : vector<128xi32>
    %reduce_min3A_123 = vector.multi_reduction <minsi>, %select_n3A_121, %reduce_min3A_122 [0] : vector<4096x128xi32> to vector<128xi32>
    %broadcast_in_dim3A_124 = vector.shape_cast %reduce_min3A_123 : vector<128xi32> to vector<1x128xi32>
    %eq3A_125 = vector.broadcast %broadcast_in_dim3A_124 : vector<1x128xi32> to vector<4096x128xi32>
    %eq3A_126 = arith.cmpi eq, %select_n3A_121, %eq3A_125 : vector<4096x128xi32>
    %jit3A_127 = arith.constant 2147483647 : i32
    %broadcast_in_dim3A_128 = vector.broadcast %jit3A_127 : i32 to vector<4096x128xi32>
    %select_n3A_129 = arith.select %eq3A_126, %iota3A, %broadcast_in_dim3A_128 : vector<4096x128xi1>, vector<4096x128xi32>
    %reduce_min3A_130 = arith.constant dense<2147483647> : vector<128xi32>
    %reduce_min3A_131 = vector.multi_reduction <minsi>, %select_n3A_129, %reduce_min3A_130 [0] : vector<4096x128xi32> to vector<128xi32>
    %jit3A_132 = arith.constant 2147483647 : i32
    %broadcast_in_dim3A_133 = vector.broadcast %jit3A_132 : i32 to vector<4096x128xi32>
    %select_n3A_134 = arith.select %eq3A_126, %broadcast_in_dim3A_133, %select_n3A_121 : vector<4096x128xi1>, vector<4096x128xi32>
    %reduce_min3A_135 = arith.constant dense<2147483647> : vector<128xi32>
    %reduce_min3A_136 = vector.multi_reduction <minsi>, %select_n3A_134, %reduce_min3A_135 [0] : vector<4096x128xi32> to vector<128xi32>
    %broadcast_in_dim3A_137 = vector.shape_cast %reduce_min3A_136 : vector<128xi32> to vector<1x128xi32>
    %eq3A_138 = vector.broadcast %broadcast_in_dim3A_137 : vector<1x128xi32> to vector<4096x128xi32>
    %eq3A_139 = arith.cmpi eq, %select_n3A_134, %eq3A_138 : vector<4096x128xi32>
    %jit3A_140 = arith.constant 2147483647 : i32
    %broadcast_in_dim3A_141 = vector.broadcast %jit3A_140 : i32 to vector<4096x128xi32>
    %select_n3A_142 = arith.select %eq3A_139, %iota3A, %broadcast_in_dim3A_141 : vector<4096x128xi1>, vector<4096x128xi32>
    %reduce_min3A_143 = arith.constant dense<2147483647> : vector<128xi32>
    %reduce_min3A_144 = vector.multi_reduction <minsi>, %select_n3A_142, %reduce_min3A_143 [0] : vector<4096x128xi32> to vector<128xi32>
    %jit3A_145 = arith.constant 2147483647 : i32
    %broadcast_in_dim3A_146 = vector.broadcast %jit3A_145 : i32 to vector<4096x128xi32>
    %select_n3A_147 = arith.select %eq3A_139, %broadcast_in_dim3A_146, %select_n3A_134 : vector<4096x128xi1>, vector<4096x128xi32>
    %reduce_min3A_148 = arith.constant dense<2147483647> : vector<128xi32>
    %reduce_min3A_149 = vector.multi_reduction <minsi>, %select_n3A_147, %reduce_min3A_148 [0] : vector<4096x128xi32> to vector<128xi32>
    %broadcast_in_dim3A_150 = vector.shape_cast %reduce_min3A_149 : vector<128xi32> to vector<1x128xi32>
    %eq3A_151 = vector.broadcast %broadcast_in_dim3A_150 : vector<1x128xi32> to vector<4096x128xi32>
    %eq3A_152 = arith.cmpi eq, %select_n3A_147, %eq3A_151 : vector<4096x128xi32>
    %jit3A_153 = arith.constant 2147483647 : i32
    %broadcast_in_dim3A_154 = vector.broadcast %jit3A_153 : i32 to vector<4096x128xi32>
    %select_n3A_155 = arith.select %eq3A_152, %iota3A, %broadcast_in_dim3A_154 : vector<4096x128xi1>, vector<4096x128xi32>
    %reduce_min3A_156 = arith.constant dense<2147483647> : vector<128xi32>
    %reduce_min3A_157 = vector.multi_reduction <minsi>, %select_n3A_155, %reduce_min3A_156 [0] : vector<4096x128xi32> to vector<128xi32>
    %jit3A_158 = arith.constant 2147483647 : i32
    %broadcast_in_dim3A_159 = vector.broadcast %jit3A_158 : i32 to vector<4096x128xi32>
    %select_n3A_160 = arith.select %eq3A_152, %broadcast_in_dim3A_159, %select_n3A_147 : vector<4096x128xi1>, vector<4096x128xi32>
    %reduce_min3A_161 = arith.constant dense<2147483647> : vector<128xi32>
    %reduce_min3A_162 = vector.multi_reduction <minsi>, %select_n3A_160, %reduce_min3A_161 [0] : vector<4096x128xi32> to vector<128xi32>
    %broadcast_in_dim3A_163 = vector.shape_cast %reduce_min3A_162 : vector<128xi32> to vector<1x128xi32>
    %eq3A_164 = vector.broadcast %broadcast_in_dim3A_163 : vector<1x128xi32> to vector<4096x128xi32>
    %eq3A_165 = arith.cmpi eq, %select_n3A_160, %eq3A_164 : vector<4096x128xi32>
    %jit3A_166 = arith.constant 2147483647 : i32
    %broadcast_in_dim3A_167 = vector.broadcast %jit3A_166 : i32 to vector<4096x128xi32>
    %select_n3A_168 = arith.select %eq3A_165, %iota3A, %broadcast_in_dim3A_167 : vector<4096x128xi1>, vector<4096x128xi32>
    %reduce_min3A_169 = arith.constant dense<2147483647> : vector<128xi32>
    %reduce_min3A_170 = vector.multi_reduction <minsi>, %select_n3A_168, %reduce_min3A_169 [0] : vector<4096x128xi32> to vector<128xi32>
    %jit3A_171 = arith.constant 2147483647 : i32
    %broadcast_in_dim3A_172 = vector.broadcast %jit3A_171 : i32 to vector<4096x128xi32>
    %select_n3A_173 = arith.select %eq3A_165, %broadcast_in_dim3A_172, %select_n3A_160 : vector<4096x128xi1>, vector<4096x128xi32>
    %reduce_min3A_174 = arith.constant dense<2147483647> : vector<128xi32>
    %reduce_min3A_175 = vector.multi_reduction <minsi>, %select_n3A_173, %reduce_min3A_174 [0] : vector<4096x128xi32> to vector<128xi32>
    %broadcast_in_dim3A_176 = vector.shape_cast %reduce_min3A_175 : vector<128xi32> to vector<1x128xi32>
    %eq3A_177 = vector.broadcast %broadcast_in_dim3A_176 : vector<1x128xi32> to vector<4096x128xi32>
    %eq3A_178 = arith.cmpi eq, %select_n3A_173, %eq3A_177 : vector<4096x128xi32>
    %jit3A_179 = arith.constant 2147483647 : i32
    %broadcast_in_dim3A_180 = vector.broadcast %jit3A_179 : i32 to vector<4096x128xi32>
    %select_n3A_181 = arith.select %eq3A_178, %iota3A, %broadcast_in_dim3A_180 : vector<4096x128xi1>, vector<4096x128xi32>
    %reduce_min3A_182 = arith.constant dense<2147483647> : vector<128xi32>
    %reduce_min3A_183 = vector.multi_reduction <minsi>, %select_n3A_181, %reduce_min3A_182 [0] : vector<4096x128xi32> to vector<128xi32>
    %jit3A_184 = arith.constant 2147483647 : i32
    %broadcast_in_dim3A_185 = vector.broadcast %jit3A_184 : i32 to vector<4096x128xi32>
    %select_n3A_186 = arith.select %eq3A_178, %broadcast_in_dim3A_185, %select_n3A_173 : vector<4096x128xi1>, vector<4096x128xi32>
    %reduce_min3A_187 = arith.constant dense<2147483647> : vector<128xi32>
    %reduce_min3A_188 = vector.multi_reduction <minsi>, %select_n3A_186, %reduce_min3A_187 [0] : vector<4096x128xi32> to vector<128xi32>
    %broadcast_in_dim3A_189 = vector.shape_cast %reduce_min3A_188 : vector<128xi32> to vector<1x128xi32>
    %eq3A_190 = vector.broadcast %broadcast_in_dim3A_189 : vector<1x128xi32> to vector<4096x128xi32>
    %eq3A_191 = arith.cmpi eq, %select_n3A_186, %eq3A_190 : vector<4096x128xi32>
    %jit3A_192 = arith.constant 2147483647 : i32
    %broadcast_in_dim3A_193 = vector.broadcast %jit3A_192 : i32 to vector<4096x128xi32>
    %select_n3A_194 = arith.select %eq3A_191, %iota3A, %broadcast_in_dim3A_193 : vector<4096x128xi1>, vector<4096x128xi32>
    %reduce_min3A_195 = arith.constant dense<2147483647> : vector<128xi32>
    %reduce_min3A_196 = vector.multi_reduction <minsi>, %select_n3A_194, %reduce_min3A_195 [0] : vector<4096x128xi32> to vector<128xi32>
    %jit3A_197 = arith.constant 2147483647 : i32
    %broadcast_in_dim3A_198 = vector.broadcast %jit3A_197 : i32 to vector<4096x128xi32>
    %select_n3A_199 = arith.select %eq3A_191, %broadcast_in_dim3A_198, %select_n3A_186 : vector<4096x128xi1>, vector<4096x128xi32>
    %reduce_min3A_200 = arith.constant dense<2147483647> : vector<128xi32>
    %reduce_min3A_201 = vector.multi_reduction <minsi>, %select_n3A_199, %reduce_min3A_200 [0] : vector<4096x128xi32> to vector<128xi32>
    %broadcast_in_dim3A_202 = vector.shape_cast %reduce_min3A_201 : vector<128xi32> to vector<1x128xi32>
    %eq3A_203 = vector.broadcast %broadcast_in_dim3A_202 : vector<1x128xi32> to vector<4096x128xi32>
    %eq3A_204 = arith.cmpi eq, %select_n3A_199, %eq3A_203 : vector<4096x128xi32>
    %jit3A_205 = arith.constant 2147483647 : i32
    %broadcast_in_dim3A_206 = vector.broadcast %jit3A_205 : i32 to vector<4096x128xi32>
    %select_n3A_207 = arith.select %eq3A_204, %iota3A, %broadcast_in_dim3A_206 : vector<4096x128xi1>, vector<4096x128xi32>
    %reduce_min3A_208 = arith.constant dense<2147483647> : vector<128xi32>
    %reduce_min3A_209 = vector.multi_reduction <minsi>, %select_n3A_207, %reduce_min3A_208 [0] : vector<4096x128xi32> to vector<128xi32>
    %jit3A_210 = arith.constant 2147483647 : i32
    %broadcast_in_dim3A_211 = vector.broadcast %jit3A_210 : i32 to vector<4096x128xi32>
    %select_n3A_212 = arith.select %eq3A_204, %broadcast_in_dim3A_211, %select_n3A_199 : vector<4096x128xi1>, vector<4096x128xi32>
    %reduce_min3A_213 = arith.constant dense<2147483647> : vector<128xi32>
    %reduce_min3A_214 = vector.multi_reduction <minsi>, %select_n3A_212, %reduce_min3A_213 [0] : vector<4096x128xi32> to vector<128xi32>
    %broadcast_in_dim3A_215 = vector.shape_cast %reduce_min3A_214 : vector<128xi32> to vector<1x128xi32>
    %eq3A_216 = vector.broadcast %broadcast_in_dim3A_215 : vector<1x128xi32> to vector<4096x128xi32>
    %eq3A_217 = arith.cmpi eq, %select_n3A_212, %eq3A_216 : vector<4096x128xi32>
    %jit3A_218 = arith.constant 2147483647 : i32
    %broadcast_in_dim3A_219 = vector.broadcast %jit3A_218 : i32 to vector<4096x128xi32>
    %select_n3A_220 = arith.select %eq3A_217, %iota3A, %broadcast_in_dim3A_219 : vector<4096x128xi1>, vector<4096x128xi32>
    %reduce_min3A_221 = arith.constant dense<2147483647> : vector<128xi32>
    %reduce_min3A_222 = vector.multi_reduction <minsi>, %select_n3A_220, %reduce_min3A_221 [0] : vector<4096x128xi32> to vector<128xi32>
    %stack3A = vector.shape_cast %reduce_min3A_27 : vector<128xi32> to vector<1x128xi32>
    %stack3A_223 = vector.shape_cast %reduce_min3A_40 : vector<128xi32> to vector<1x128xi32>
    %stack3A_224 = vector.shape_cast %reduce_min3A_53 : vector<128xi32> to vector<1x128xi32>
    %stack3A_225 = vector.shape_cast %reduce_min3A_66 : vector<128xi32> to vector<1x128xi32>
    %stack3A_226 = vector.shape_cast %reduce_min3A_79 : vector<128xi32> to vector<1x128xi32>
    %stack3A_227 = vector.shape_cast %reduce_min3A_92 : vector<128xi32> to vector<1x128xi32>
    %stack3A_228 = vector.shape_cast %reduce_min3A_105 : vector<128xi32> to vector<1x128xi32>
    %stack3A_229 = vector.shape_cast %reduce_min3A_118 : vector<128xi32> to vector<1x128xi32>
    %stack3A_230 = vector.shape_cast %reduce_min3A_131 : vector<128xi32> to vector<1x128xi32>
    %stack3A_231 = vector.shape_cast %reduce_min3A_144 : vector<128xi32> to vector<1x128xi32>
    %stack3A_232 = vector.shape_cast %reduce_min3A_157 : vector<128xi32> to vector<1x128xi32>
    %stack3A_233 = vector.shape_cast %reduce_min3A_170 : vector<128xi32> to vector<1x128xi32>
    %stack3A_234 = vector.shape_cast %reduce_min3A_183 : vector<128xi32> to vector<1x128xi32>
    %stack3A_235 = vector.shape_cast %reduce_min3A_196 : vector<128xi32> to vector<1x128xi32>
    %stack3A_236 = vector.shape_cast %reduce_min3A_209 : vector<128xi32> to vector<1x128xi32>
    %stack3A_237 = vector.shape_cast %reduce_min3A_222 : vector<128xi32> to vector<1x128xi32>
    %stack3A_238 = tpu.concatenate %stack3A, %stack3A_223, %stack3A_224, %stack3A_225, %stack3A_226, %stack3A_227, %stack3A_228, %stack3A_229, %stack3A_230, %stack3A_231, %stack3A_232, %stack3A_233, %stack3A_234, %stack3A_235, %stack3A_236, %stack3A_237 in 0 : vector<1x128xi32>, vector<1x128xi32>, vector<1x128xi32>, vector<1x128xi32>, vector<1x128xi32>, vector<1x128xi32>, vector<1x128xi32>, vector<1x128xi32>, vector<1x128xi32>, vector<1x128xi32>, vector<1x128xi32>, vector<1x128xi32>, vector<1x128xi32>, vector<1x128xi32>, vector<1x128xi32>, vector<1x128xi32> -> vector<16x128xi32>
    %broadcast_in_dim3A_239 = vector.shape_cast %stack3A_238 : vector<16x128xi32> to vector<1x16x128xi32>
    %swap3A = arith.constant 0 : index
    %swap3A_240 = arith.constant 0 : index
    %swap3A_241 = arith.constant 0 : index
    %swap3A_242 = vector.load %arg4[%swap3A, %swap3A_240, %swap3A_241] : memref<1x16x128xi32, #tpu.memory_space<vmem>>, vector<1x16x128xi32>
    tpu.vector_store %arg4[%swap3A, %swap3A_240, %swap3A_241], %broadcast_in_dim3A_239 {strides = array<i32>} : memref<1x16x128xi32, #tpu.memory_space<vmem>>, vector<1x16x128xi32>,
    return
  }
  func.func @transform_0(%arg0: i32, %arg1: i32) -> (i32, i32, i32) {
    %c0_i32 = arith.constant 0 : i32
    %c0_i32_0 = arith.constant 0 : i32
    %c0_i32_1 = arith.constant 0 : i32
    return %arg0, %c0_i32, %c0_i32_0 : i32, i32, i32
  }
  func.func @transform_1(%arg0: i32, %arg1: i32) -> (i32, i32, i32) {
    %c0_i32 = arith.constant 0 : i32
    %c0_i32_0 = arith.constant 0 : i32
    return %arg0, %c0_i32, %arg1 : i32, i32, i32
  }
  func.func @transform_2(%arg0: i32, %arg1: i32) -> (i32, i32, i32) {
    %c0_i32 = arith.constant 0 : i32
    %c0_i32_0 = arith.constant 0 : i32
    return %arg0, %c0_i32, %arg1 : i32, i32, i32
  }
}

module attributes {stable_mosaic.version = 14 : i64} {
  func.func @_mlp_body(%arg0: i32, %arg1: i32, %arg2: memref<1x256x16x80xf32, #tpu.memory_space<vmem>>, %arg3: memref<1x256x64xf32, #tpu.memory_space<vmem>>, %arg4: memref<1x256x8xf32, #tpu.memory_space<vmem>>, %arg5: memref<1x256x1xf32, #tpu.memory_space<vmem>>, %arg6: memref<144x128xf32, #tpu.memory_space<vmem>>, %arg7: memref<1x128xf32, #tpu.memory_space<vmem>>, %arg8: memref<128x128xf32, #tpu.memory_space<vmem>>, %arg9: memref<1x128xf32, #tpu.memory_space<vmem>>, %arg10: memref<3x8xf32, #tpu.memory_space<vmem>>, %arg11: memref<1x8xf32, #tpu.memory_space<vmem>>, %arg12: memref<8x8xf32, #tpu.memory_space<vmem>>, %arg13: memref<1x8xf32, #tpu.memory_space<vmem>>, %arg14: memref<8x128xf32, #tpu.memory_space<vmem>>, %arg15: memref<1x128xf32, #tpu.memory_space<vmem>>, %arg16: memref<1x256x128xf32, #tpu.memory_space<vmem>>) attributes {dimension_semantics = [#tpu.dimension_semantics<arbitrary>, #tpu.dimension_semantics<arbitrary>], iteration_bounds = array<i64: 2, 16>, scalar_prefetch = 0 : i64, scratch_operands = 0 : i64, tpu.core_type = #tpu.core_type<tc>, window_params = [{transform_indices = @transform_0, window_bounds = array<i64: 1, 256, 16, 80>}, {transform_indices = @transform_1, window_bounds = array<i64: 1, 256, 64>}, {transform_indices = @transform_2, window_bounds = array<i64: 1, 256, 8>}, {transform_indices = @transform_3, window_bounds = array<i64: 1, 256, 1>}, {pipeline_mode = #tpu.pipeline_mode<synchronous>, transform_indices = @transform_4, window_bounds = array<i64: 144, 128>}, {pipeline_mode = #tpu.pipeline_mode<synchronous>, transform_indices = @transform_5, window_bounds = array<i64: 1, 128>}, {pipeline_mode = #tpu.pipeline_mode<synchronous>, transform_indices = @transform_6, window_bounds = array<i64: 128, 128>}, {pipeline_mode = #tpu.pipeline_mode<synchronous>, transform_indices = @transform_7, window_bounds = array<i64: 1, 128>}, {pipeline_mode = #tpu.pipeline_mode<synchronous>, transform_indices = @transform_8, window_bounds = array<i64: 3, 8>}, {pipeline_mode = #tpu.pipeline_mode<synchronous>, transform_indices = @transform_9, window_bounds = array<i64: 1, 8>}, {pipeline_mode = #tpu.pipeline_mode<synchronous>, transform_indices = @transform_10, window_bounds = array<i64: 8, 8>}, {pipeline_mode = #tpu.pipeline_mode<synchronous>, transform_indices = @transform_11, window_bounds = array<i64: 1, 8>}, {pipeline_mode = #tpu.pipeline_mode<synchronous>, transform_indices = @transform_12, window_bounds = array<i64: 8, 128>}, {pipeline_mode = #tpu.pipeline_mode<synchronous>, transform_indices = @transform_13, window_bounds = array<i64: 1, 128>}, {transform_indices = @transform_14, window_bounds = array<i64: 1, 256, 128>}]} {
    %get3A = arith.constant 0 : index
    %get3A_0 = arith.constant 0 : index
    %get3A_1 = arith.constant 0 : index
    %get3A_2 = arith.constant 0 : index
    %get3A_3 = vector.load %arg2[%get3A, %get3A_0, %get3A_1, %get3A_2] : memref<1x256x16x80xf32, #tpu.memory_space<vmem>>, vector<1x256x16x80xf32>
    %get3A_4 = vector.shape_cast %get3A_3 : vector<1x256x16x80xf32> to vector<256x16x80xf32>
    %reshape3A = vector.shape_cast %get3A_4 : vector<256x16x80xf32> to vector<4096x80xf32>
    %slice3A = vector.extract_strided_slice %reshape3A {offsets = [0, 0], sizes = [4096, 64], strides = [1, 1]} : vector<4096x80xf32> to vector<4096x64xf32>
    %slice3A_5 = vector.extract_strided_slice %reshape3A {offsets = [0, 64], sizes = [4096, 3], strides = [1, 1]} : vector<4096x80xf32> to vector<4096x3xf32>
    %get3A_6 = arith.constant 0 : index
    %get3A_7 = arith.constant 0 : index
    %get3A_8 = arith.constant 0 : index
    %get3A_9 = vector.load %arg3[%get3A_6, %get3A_7, %get3A_8] : memref<1x256x64xf32, #tpu.memory_space<vmem>>, vector<1x256x64xf32>
    %get3A_10 = vector.shape_cast %get3A_9 : vector<1x256x64xf32> to vector<256x64xf32>
    %broadcast_in_dim3A = vector.shape_cast %get3A_10 : vector<256x64xf32> to vector<256x1x64xf32>
    %broadcast_in_dim3A_11 = vector.shape_cast %broadcast_in_dim3A : vector<256x1x64xf32> to vector<256x1x64xf32>
    %broadcast_in_dim3A_12 = vector.broadcast %broadcast_in_dim3A_11 : vector<256x1x64xf32> to vector<256x16x64xf32>
    %reshape3A_13 = vector.shape_cast %broadcast_in_dim3A_12 : vector<256x16x64xf32> to vector<4096x64xf32>
    %get3A_14 = arith.constant 0 : index
    %get3A_15 = arith.constant 0 : index
    %get3A_16 = arith.constant 0 : index
    %get3A_17 = vector.load %arg4[%get3A_14, %get3A_15, %get3A_16] : memref<1x256x8xf32, #tpu.memory_space<vmem>>, vector<1x256x8xf32>
    %get3A_18 = vector.shape_cast %get3A_17 : vector<1x256x8xf32> to vector<256x8xf32>
    %slice3A_19 = vector.extract_strided_slice %get3A_18 {offsets = [0, 0], sizes = [256, 3], strides = [1, 1]} : vector<256x8xf32> to vector<256x3xf32>
    %broadcast_in_dim3A_20 = vector.shape_cast %slice3A_19 : vector<256x3xf32> to vector<256x1x3xf32>
    %broadcast_in_dim3A_21 = vector.shape_cast %broadcast_in_dim3A_20 : vector<256x1x3xf32> to vector<256x1x3xf32>
    %broadcast_in_dim3A_22 = vector.broadcast %broadcast_in_dim3A_21 : vector<256x1x3xf32> to vector<256x16x3xf32>
    %reshape3A_23 = vector.shape_cast %broadcast_in_dim3A_22 : vector<256x16x3xf32> to vector<4096x3xf32>
    %sub3A = arith.subf %slice3A_5, %reshape3A_23 : vector<4096x3xf32>
    %broadcast_in_dim3A_24 = arith.constant 0.000000e+00 : f32
    %broadcast_in_dim3A_25 = vector.broadcast %broadcast_in_dim3A_24 : f32 to vector<4096x13xf32>
    %concatenate3A = tpu.concatenate %reshape3A_13, %slice3A, %sub3A, %broadcast_in_dim3A_25 in 1 : vector<4096x64xf32>, vector<4096x64xf32>, vector<4096x3xf32>, vector<4096x13xf32> -> vector<4096x144xf32>
    %get3A_26 = arith.constant 0 : index
    %get3A_27 = arith.constant 0 : index
    %get3A_28 = vector.load %arg6[%get3A_26, %get3A_27] : memref<144x128xf32, #tpu.memory_space<vmem>>, vector<144x128xf32>
    %dot_general3A = arith.constant dense<0.000000e+00> : vector<4096x128xf32>
    %dot_general3A_29 = tpu.matmul %concatenate3A, %get3A_28, %dot_general3A {dimension_numbers = #tpu.dot_dimension_numbers<[1], [0], [0], [1], [0, 0, 1, 1], [], []>, transpose_lhs_hint = false} : vector<4096x144xf32>, vector<144x128xf32>, vector<4096x128xf32> -> vector<4096x128xf32>
    %get3A_30 = arith.constant 0 : index
    %get3A_31 = arith.constant 0 : index
    %get3A_32 = vector.load %arg7[%get3A_30, %get3A_31] : memref<1x128xf32, #tpu.memory_space<vmem>>, vector<1x128xf32>
    %add3A = vector.broadcast %get3A_32 : vector<1x128xf32> to vector<4096x128xf32>
    %add3A_33 = arith.addf %dot_general3A_29, %add3A : vector<4096x128xf32>
    %ge3A = arith.constant 0.000000e+00 : f32
    %ge3A_34 = vector.broadcast %ge3A : f32 to vector<4096x128xf32>
    %ge3A_35 = arith.cmpf oge, %add3A_33, %ge3A_34 : vector<4096x128xf32>
    %mul3A = arith.constant 1.000000e-01 : f32
    %mul3A_36 = vector.broadcast %mul3A : f32 to vector<4096x128xf32>
    %mul3A_37 = arith.mulf %mul3A_36, %add3A_33 : vector<4096x128xf32>
    %select_n3A = arith.select %ge3A_35, %add3A_33, %mul3A_37 : vector<4096x128xi1>, vector<4096x128xf32>
    %get3A_38 = arith.constant 0 : index
    %get3A_39 = arith.constant 0 : index
    %get3A_40 = vector.load %arg8[%get3A_38, %get3A_39] : memref<128x128xf32, #tpu.memory_space<vmem>>, vector<128x128xf32>
    %dot_general3A_41 = arith.constant dense<0.000000e+00> : vector<4096x128xf32>
    %dot_general3A_42 = tpu.matmul %select_n3A, %get3A_40, %dot_general3A_41 {dimension_numbers = #tpu.dot_dimension_numbers<[1], [0], [0], [1], [0, 0, 1, 1], [], []>, transpose_lhs_hint = false} : vector<4096x128xf32>, vector<128x128xf32>, vector<4096x128xf32> -> vector<4096x128xf32>
    %get3A_43 = arith.constant 0 : index
    %get3A_44 = arith.constant 0 : index
    %get3A_45 = vector.load %arg9[%get3A_43, %get3A_44] : memref<1x128xf32, #tpu.memory_space<vmem>>, vector<1x128xf32>
    %add3A_46 = vector.broadcast %get3A_45 : vector<1x128xf32> to vector<4096x128xf32>
    %add3A_47 = arith.addf %dot_general3A_42, %add3A_46 : vector<4096x128xf32>
    %ge3A_48 = arith.constant 0.000000e+00 : f32
    %ge3A_49 = vector.broadcast %ge3A_48 : f32 to vector<4096x128xf32>
    %ge3A_50 = arith.cmpf oge, %add3A_47, %ge3A_49 : vector<4096x128xf32>
    %mul3A_51 = arith.constant 1.000000e-01 : f32
    %mul3A_52 = vector.broadcast %mul3A_51 : f32 to vector<4096x128xf32>
    %mul3A_53 = arith.mulf %mul3A_52, %add3A_47 : vector<4096x128xf32>
    %select_n3A_54 = arith.select %ge3A_50, %add3A_47, %mul3A_53 : vector<4096x128xi1>, vector<4096x128xf32>
    %get3A_55 = arith.constant 0 : index
    %get3A_56 = arith.constant 0 : index
    %get3A_57 = vector.load %arg10[%get3A_55, %get3A_56] : memref<3x8xf32, #tpu.memory_space<vmem>>, vector<3x8xf32>
    %dot_general3A_58 = arith.constant dense<0.000000e+00> : vector<4096x8xf32>
    %dot_general3A_59 = tpu.matmul %sub3A, %get3A_57, %dot_general3A_58 {dimension_numbers = #tpu.dot_dimension_numbers<[1], [0], [0], [1], [0, 0, 1, 1], [], []>, transpose_lhs_hint = false} : vector<4096x3xf32>, vector<3x8xf32>, vector<4096x8xf32> -> vector<4096x8xf32>
    %get3A_60 = arith.constant 0 : index
    %get3A_61 = arith.constant 0 : index
    %get3A_62 = vector.load %arg11[%get3A_60, %get3A_61] : memref<1x8xf32, #tpu.memory_space<vmem>>, vector<1x8xf32>
    %add3A_63 = vector.broadcast %get3A_62 : vector<1x8xf32> to vector<4096x8xf32>
    %add3A_64 = arith.addf %dot_general3A_59, %add3A_63 : vector<4096x8xf32>
    %max3A = arith.constant 0.000000e+00 : f32
    %max3A_65 = vector.broadcast %max3A : f32 to vector<4096x8xf32>
    %max3A_66 = arith.maximumf %add3A_64, %max3A_65 : vector<4096x8xf32>
    %get3A_67 = arith.constant 0 : index
    %get3A_68 = arith.constant 0 : index
    %get3A_69 = vector.load %arg12[%get3A_67, %get3A_68] : memref<8x8xf32, #tpu.memory_space<vmem>>, vector<8x8xf32>
    %dot_general3A_70 = arith.constant dense<0.000000e+00> : vector<4096x8xf32>
    %dot_general3A_71 = tpu.matmul %max3A_66, %get3A_69, %dot_general3A_70 {dimension_numbers = #tpu.dot_dimension_numbers<[1], [0], [0], [1], [0, 0, 1, 1], [], []>, transpose_lhs_hint = false} : vector<4096x8xf32>, vector<8x8xf32>, vector<4096x8xf32> -> vector<4096x8xf32>
    %get3A_72 = arith.constant 0 : index
    %get3A_73 = arith.constant 0 : index
    %get3A_74 = vector.load %arg13[%get3A_72, %get3A_73] : memref<1x8xf32, #tpu.memory_space<vmem>>, vector<1x8xf32>
    %add3A_75 = vector.broadcast %get3A_74 : vector<1x8xf32> to vector<4096x8xf32>
    %add3A_76 = arith.addf %dot_general3A_71, %add3A_75 : vector<4096x8xf32>
    %max3A_77 = arith.constant 0.000000e+00 : f32
    %max3A_78 = vector.broadcast %max3A_77 : f32 to vector<4096x8xf32>
    %max3A_79 = arith.maximumf %add3A_76, %max3A_78 : vector<4096x8xf32>
    %get3A_80 = arith.constant 0 : index
    %get3A_81 = arith.constant 0 : index
    %get3A_82 = vector.load %arg14[%get3A_80, %get3A_81] : memref<8x128xf32, #tpu.memory_space<vmem>>, vector<8x128xf32>
    %dot_general3A_83 = arith.constant dense<0.000000e+00> : vector<4096x128xf32>
    %dot_general3A_84 = tpu.matmul %max3A_79, %get3A_82, %dot_general3A_83 {dimension_numbers = #tpu.dot_dimension_numbers<[1], [0], [0], [1], [0, 0, 1, 1], [], []>, transpose_lhs_hint = false} : vector<4096x8xf32>, vector<8x128xf32>, vector<4096x128xf32> -> vector<4096x128xf32>
    %get3A_85 = arith.constant 0 : index
    %get3A_86 = arith.constant 0 : index
    %get3A_87 = vector.load %arg15[%get3A_85, %get3A_86] : memref<1x128xf32, #tpu.memory_space<vmem>>, vector<1x128xf32>
    %add3A_88 = vector.broadcast %get3A_87 : vector<1x128xf32> to vector<4096x128xf32>
    %add3A_89 = arith.addf %dot_general3A_84, %add3A_88 : vector<4096x128xf32>
    %max3A_90 = arith.constant 0.000000e+00 : f32
    %max3A_91 = vector.broadcast %max3A_90 : f32 to vector<4096x128xf32>
    %max3A_92 = arith.maximumf %add3A_89, %max3A_91 : vector<4096x128xf32>
    %mul3A_93 = arith.mulf %select_n3A_54, %max3A_92 : vector<4096x128xf32>
    %reshape3A_94 = vector.shape_cast %mul3A_93 : vector<4096x128xf32> to vector<256x16x128xf32>
    %reduce_sum3A = arith.constant dense<0.000000e+00> : vector<256x128xf32>
    %reduce_sum3A_95 = vector.multi_reduction <add>, %reshape3A_94, %reduce_sum3A [1] : vector<256x16x128xf32> to vector<256x128xf32>
    %get3A_96 = arith.constant 0 : index
    %get3A_97 = arith.constant 0 : index
    %get3A_98 = arith.constant 0 : index
    %get3A_99 = vector.load %arg5[%get3A_96, %get3A_97, %get3A_98] : memref<1x256x1xf32, #tpu.memory_space<vmem>>, vector<1x256x1xf32>
    %get3A_100 = vector.shape_cast %get3A_99 : vector<1x256x1xf32> to vector<256x1xf32>
    %mul3A_101 = vector.broadcast %get3A_100 : vector<256x1xf32> to vector<256x128xf32>
    %mul3A_102 = arith.mulf %reduce_sum3A_95, %mul3A_101 : vector<256x128xf32>
    %broadcast_in_dim3A_103 = vector.shape_cast %mul3A_102 : vector<256x128xf32> to vector<1x256x128xf32>
    %swap3A = arith.constant 0 : index
    %swap3A_104 = arith.constant 0 : index
    %swap3A_105 = arith.constant 0 : index
    %swap3A_106 = vector.load %arg16[%swap3A, %swap3A_104, %swap3A_105] : memref<1x256x128xf32, #tpu.memory_space<vmem>>, vector<1x256x128xf32>
    tpu.vector_store %arg16[%swap3A, %swap3A_104, %swap3A_105], %broadcast_in_dim3A_103 {strides = array<i32>} : memref<1x256x128xf32, #tpu.memory_space<vmem>>, vector<1x256x128xf32>,
    return
  }
  func.func @transform_0(%arg0: i32, %arg1: i32) -> (i32, i32, i32, i32) {
    %c0_i32 = arith.constant 0 : i32
    %c0_i32_0 = arith.constant 0 : i32
    %c0_i32_1 = arith.constant 0 : i32
    return %arg0, %arg1, %c0_i32, %c0_i32_0 : i32, i32, i32, i32
  }
  func.func @transform_1(%arg0: i32, %arg1: i32) -> (i32, i32, i32) {
    %c0_i32 = arith.constant 0 : i32
    %c0_i32_0 = arith.constant 0 : i32
    return %arg0, %arg1, %c0_i32 : i32, i32, i32
  }
  func.func @transform_2(%arg0: i32, %arg1: i32) -> (i32, i32, i32) {
    %c0_i32 = arith.constant 0 : i32
    %c0_i32_0 = arith.constant 0 : i32
    return %arg0, %arg1, %c0_i32 : i32, i32, i32
  }
  func.func @transform_3(%arg0: i32, %arg1: i32) -> (i32, i32, i32) {
    %c0_i32 = arith.constant 0 : i32
    %c0_i32_0 = arith.constant 0 : i32
    return %arg0, %arg1, %c0_i32 : i32, i32, i32
  }
  func.func @transform_4(%arg0: i32, %arg1: i32) -> (i32, i32) {
    %c0_i32 = arith.constant 0 : i32
    %c0_i32_0 = arith.constant 0 : i32
    %c0_i32_1 = arith.constant 0 : i32
    return %c0_i32, %c0_i32_0 : i32, i32
  }
  func.func @transform_5(%arg0: i32, %arg1: i32) -> (i32, i32) {
    %c0_i32 = arith.constant 0 : i32
    %c0_i32_0 = arith.constant 0 : i32
    %c0_i32_1 = arith.constant 0 : i32
    return %c0_i32, %c0_i32_0 : i32, i32
  }
  func.func @transform_6(%arg0: i32, %arg1: i32) -> (i32, i32) {
    %c0_i32 = arith.constant 0 : i32
    %c0_i32_0 = arith.constant 0 : i32
    %c0_i32_1 = arith.constant 0 : i32
    return %c0_i32, %c0_i32_0 : i32, i32
  }
  func.func @transform_7(%arg0: i32, %arg1: i32) -> (i32, i32) {
    %c0_i32 = arith.constant 0 : i32
    %c0_i32_0 = arith.constant 0 : i32
    %c0_i32_1 = arith.constant 0 : i32
    return %c0_i32, %c0_i32_0 : i32, i32
  }
  func.func @transform_8(%arg0: i32, %arg1: i32) -> (i32, i32) {
    %c0_i32 = arith.constant 0 : i32
    %c0_i32_0 = arith.constant 0 : i32
    %c0_i32_1 = arith.constant 0 : i32
    return %c0_i32, %c0_i32_0 : i32, i32
  }
  func.func @transform_9(%arg0: i32, %arg1: i32) -> (i32, i32) {
    %c0_i32 = arith.constant 0 : i32
    %c0_i32_0 = arith.constant 0 : i32
    %c0_i32_1 = arith.constant 0 : i32
    return %c0_i32, %c0_i32_0 : i32, i32
  }
  func.func @transform_10(%arg0: i32, %arg1: i32) -> (i32, i32) {
    %c0_i32 = arith.constant 0 : i32
    %c0_i32_0 = arith.constant 0 : i32
    %c0_i32_1 = arith.constant 0 : i32
    return %c0_i32, %c0_i32_0 : i32, i32
  }
  func.func @transform_11(%arg0: i32, %arg1: i32) -> (i32, i32) {
    %c0_i32 = arith.constant 0 : i32
    %c0_i32_0 = arith.constant 0 : i32
    %c0_i32_1 = arith.constant 0 : i32
    return %c0_i32, %c0_i32_0 : i32, i32
  }
  func.func @transform_12(%arg0: i32, %arg1: i32) -> (i32, i32) {
    %c0_i32 = arith.constant 0 : i32
    %c0_i32_0 = arith.constant 0 : i32
    %c0_i32_1 = arith.constant 0 : i32
    return %c0_i32, %c0_i32_0 : i32, i32
  }
  func.func @transform_13(%arg0: i32, %arg1: i32) -> (i32, i32) {
    %c0_i32 = arith.constant 0 : i32
    %c0_i32_0 = arith.constant 0 : i32
    %c0_i32_1 = arith.constant 0 : i32
    return %c0_i32, %c0_i32_0 : i32, i32
  }
  func.func @transform_14(%arg0: i32, %arg1: i32) -> (i32, i32, i32) {
    %c0_i32 = arith.constant 0 : i32
    %c0_i32_0 = arith.constant 0 : i32
    return %arg0, %arg1, %c0_i32 : i32, i32, i32
  }
}

</mosaic_0001>

<sc_bundles>
// kernel: gather_offload_async_start.1
scs
__scs_entry_jumppad:
0x0: {  	(pc) =	sbr.rel $0x88, $3  }
0x1: {  	(tag) =	ssettag $0x0;
	lr =	simm.s32 $0x1  }
0x2: {  	[smem:$0x3F90] =	sst lr;
	_ =	strace $0xD0000000  }
0x3: {  	_ = 	snop  }
0x4: {  	_ = 	snop  }
0x5: {  	_ = 	snop  }
0x6: {  	_ = 	snop  }
0x7: {  	_ = 	snop  }
__scs_overlays_trampoline_lowered:
0x8: {  	[smem:$0x3F9F] =	sst s0  }
0x9: {  	[smem:$0x3FA0] =	sst s1  }
0xa: {  	[smem:$0x3FA1] =	sst s2  }
0xb: {  	[smem:$0x3FA2] =	sst s3  }
0xc: {  	[smem:$0x3FA3] =	sst s4  }
0xd: {  	[smem:$0x3FA4] =	sst s5  }
0xe: {  	[smem:$0x3FA5] =	sst s6  }
0xf: {  	[smem:$0x3FA6] =	sst s7  }
0x10: {  	[smem:$0x3FA7] =	sst s8  }
0x11: {  	[smem:$0x3FA8] =	sst s9;
	s0 =	simm.s32 @!p0 $0x0  }
0x12: {  	s1 =	sld [smem:$0x3F8E];
	s0 =	simm.s32 @p0 $0x1  }
0x13: {  	[smem:$0x3FA9] =	sst s0;
	s0 =	simm.s32 @!p1 $0x0  }
0x14: {  	s2 =	sld [smem:$0x3F8D];
	s0 =	simm.s32 @p1 $0x1  }
0x15: {  	[smem:$0x3FAA] =	sst s0;
	s0 =	simm.s32 @!p2 $0x0  }
0x16: {  	s3 =	sld [smem:$0x3FDB];
	s0 =	simm.s32 @p2 $0x1  }
0x17: {  	s4 =	simm.s32 $0x1BF5;
	[smem:$0x3FAC] =	sst s0  }
0x18: {  	s0 =	sld [smem:$0x3F8F];
	_ =	swait.ge [sflag:s4], $0x0  }
0x19: {  	s7 =	sld [smem:$0x3F90]  }
0x1a: {  	s8 =	sadd.s32 $0xFFFFE003, lr  }
0x1b: {  	s9 =	sadd.s32 $0xFFFFFEF7, lr;
	s5 =	simm.s32 $0xFFFFFFFF;
	p2 =	slt.u32 s8, $0xFFFFF086  }
0x1c: {  	p1 =	slt.u32 s9, $0xF7A;
	s5 =	simm.s32 @!p2 $0x0  }
0x1d: {  	s5 =	simm.s32 @p1 $0x1;
	p0 =	seq.s32 s7, s2  }
0x1e: {  	s7 =	smul.u32 @!p0 $0xF7A, s2;
	p2 =	seq.s32 @!p0 s5, $0x0  }
0x1f: {  	s9 =	smul.u32 $0xF7A, s1;
	s8 =	simm.s32 @!p0 $0x1BF5;
	p2 =	por !p2, p0  }
0x20: {  	[sflag:s8] =	ssyncset.s32 @!p0 $0xFFFFF086;
	s6 =	sadd.s32 @!p0 s3, s7;
	s7 =	simm.s32 @!p0 $0x108  }
0x21: {  	s3 =	sadd.s32 s3, s9;
	s6 =	sadd.s32 @!p0 $0x88, s6;
	s7 =	simm.s32 @p2 $0x1082  }
0x22: {  	[simem:s7], [sflag:s8] =	dma.local @!p0 [hbm:s6], $0xF7A  }
0x23: {  	s9 =	sor.u32 $0xD0000000, s2;
	s6 =	simm.s32 $0x108;
	_ =	swait.ge @!p0 [sflag:s8], $0x0  }
0x24: {  	s3 =	sadd.s32 $0x88, s3;
	s6 =	simm.s32 @!p1 $0x1082;
	[sflag:s4] =	ssyncset.s32 $0xFFFFF086  }
0x25: {  	[simem:s6], [sflag:s4] =	dma.local [hbm:s3], $0xF7A  }
0x26: {  	[smem:$0x3F90] =	sst s1;
	(tag) =	ssettag s2;
	_ =	strace s9  }
0x27: {  	s1 =	sld [smem:$0x3FA0]  }
0x28: {  	s2 =	sld [smem:$0x3FA1]  }
0x29: {  	s4 =	sld [smem:$0x3FA3]  }
0x2a: {  	p0 =	seq.s32 s5, $0x0;
	s5 =	sld [smem:$0x3FA4]  }
0x2b: {  	s6 =	sld [smem:$0x3FA5]  }
0x2c: {  	s7 =	sld [smem:$0x3FA6]  }
0x2d: {  	s3 =	simm.s32 $0x108;
	s8 =	sld [smem:$0x3FA7]  }
0x2e: {  	s3 =	simm.s32 @!p0 $0x1082;
	s9 =	sld [smem:$0x3FA8]  }
0x2f: {  	lr =	sadd.s32 s0, s3;
	s0 =	sld [smem:$0x3F9F]  }
0x30: {  	s3 =	sld [smem:$0x3FA2]  }
0x31: {  	[smem:$0x3FAB] =	sst s10  }
0x32: {  	s10 =	sld [smem:$0x3FA9];
	_ =	sdelay $0x3  }
0x33: {  	p0 =	seq.s32 s10, $0x1;
	s10 =	sld [smem:$0x3FAB];
	_ =	sdelay $0x3  }
0x34: {  	[smem:$0x3FAB] =	sst s10  }
0x35: {  	s10 =	sld [smem:$0x3FAA];
	_ =	sdelay $0x3  }
0x36: {  	p1 =	seq.s32 s10, $0x1;
	s10 =	sld [smem:$0x3FAB];
	_ =	sdelay $0x3  }
0x37: {  	[smem:$0x3FAB] =	sst s10  }
0x38: {  	s10 =	sld [smem:$0x3FAC]  }
0x39: {  	_ = 	snop;
	(pc) =	sbr.ind lr, $3  }
0x3a: {  	_ = 	snop  }
0x3b: {  	_ = 	snop  }
0x3c: {  	p2 =	seq.s32 s10, $0x1;
	s10 =	sld [smem:$0x3FAB]  }
0x3d: {  	_ =	shalt  }
0x3e: {  	_ =	shalt  }
0x3f: {  	_ =	shalt  }
0x40: {  	_ =	shalt  }
0x41: {  	_ =	shalt  }
0x42: {  	_ =	shalt  }
0x43: {  	_ =	shalt  }
0x44: {  	_ =	shalt  }
0x45: {  	_ =	shalt  }
0x46: {  	_ =	shalt  }
0x47: {  	_ =	shalt  }
0x48: {  	_ =	shalt  }
0x49: {  	_ =	shalt  }
0x4a: {  	_ =	shalt  }
0x4b: {  	_ =	shalt  }
0x4c: {  	_ =	shalt  }
0x4d: {  	_ =	shalt  }
0x4e: {  	_ =	shalt  }
0x4f: {  	_ =	shalt  }
0x50: {  	_ =	shalt  }
0x51: {  	_ =	shalt  }
0x52: {  	_ =	shalt  }
0x53: {  	_ =	shalt  }
0x54: {  	_ =	shalt  }
0x55: {  	_ =	shalt  }
0x56: {  	_ =	shalt  }
0x57: {  	_ =	shalt  }
0x58: {  	_ =	shalt  }
0x59: {  	_ =	shalt  }
0x5a: {  	_ =	shalt  }
0x5b: {  	_ =	shalt  }
0x5c: {  	_ =	shalt  }
0x5d: {  	_ =	shalt  }
0x5e: {  	_ =	shalt  }
0x5f: {  	_ =	shalt  }
0x60: {  	_ =	shalt  }
0x61: {  	_ =	shalt  }
0x62: {  	_ =	shalt  }
0x63: {  	_ =	shalt  }
0x64: {  	_ =	shalt  }
0x65: {  	_ =	shalt  }
0x66: {  	_ =	shalt  }
0x67: {  	_ =	shalt  }
0x68: {  	_ =	shalt  }
0x69: {  	_ =	shalt  }
0x6a: {  	_ =	shalt  }
0x6b: {  	_ =	shalt  }
0x6c: {  	_ =	shalt  }
0x6d: {  	_ =	shalt  }
0x6e: {  	_ =	shalt  }
0x6f: {  	_ =	shalt  }
0x70: {  	_ =	shalt  }
0x71: {  	_ =	shalt  }
0x72: {  	_ =	shalt  }
0x73: {  	_ =	shalt  }
0x74: {  	_ =	shalt  }
0x75: {  	_ =	shalt  }
0x76: {  	_ =	shalt  }
0x77: {  	_ =	shalt  }
0x78: {  	_ =	shalt  }
0x79: {  	_ =	shalt  }
0x7a: {  	_ =	shalt  }
0x7b: {  	_ =	shalt  }
0x7c: {  	_ =	shalt  }
0x7d: {  	_ =	shalt  }
0x7e: {  	_ =	shalt  }
0x7f: {  	_ =	shalt  }
0x80: {  	_ =	shalt  }
0x81: {  	_ =	shalt  }
0x82: {  	_ =	shalt  }
0x83: {  	_ =	shalt  }
0x84: {  	_ =	shalt  }
0x85: {  	_ =	shalt  }
0x86: {  	_ =	shalt  }
0x87: {  	_ =	shalt  }
.Lfunc_end0:
.L_simem_size_0:
called_computation.1_lowered:
.L_overlay_start_0:
0x88: {  	s2 =	sld [smem:$0x3FD9]  }
0x89: {  	s3 =	sld [smem:$0x3FFE];
	_ =	sdelay $0x1  }
0x8a: {  	s1 =	srdreg.scid  }
0x8b: {  	s0 =	sand.u32 $0x1, s1  }
0x8c: {  	s17 =	sshll.u32 s0, $0xA;
	s2 =	sadd.s32 s3, s2  }
0x8d: {  	s2 =	sadd.s32 s2, s17  }
0x8e: {  	[smem:$0x3FB7] =	sst s2  }
0x8f: {  	_ = 	snop  }
0x90: {  	s2 =	sld [smem:$0x3FD0];
	(tm) =	ssettm $0x1  }
0x91: {  	s18 =	sld [smem:$0x3FFB];
	_ =	sdelay $0x3  }
0x92: {  	_ =	strace s18  }
0x93: {  	s3 =	sld [smem:$0x3FFC];
	_ =	sdelay $0x3  }
0x94: {  	_ =	strace s3  }
0x95: {  	s3 =	sld [smem:$0x3FFD];
	_ =	sdelay $0x3  }
0x96: {  	_ =	strace s3  }
0x97: {  	_ =	strace $0x8FFFFFFF  }
0x98: {  	s19 =	sld [smem:$0x3FDB];
	_ =	sdelay $0x1  }
0x99: {  	s4 =	simm.s32 $_scs_section_size  }
0x9a: {  	s5 =	simm.s32 $_size__tile_overlayer_lowered;
	s6 =	simm.s32 $_tile_overlayer_lowered  }
0x9b: {  	s22 =	simm.s32 $0x1BFF;
	s21 =	sshll.u32 s6, $0x1;
	s3 =	sadd.s32 s4, s19  }
0x9c: {  	s7 =	simm.s32 $0x0;
	s20 =	sshll.u32 s5, $0x1;
	s5 =	sadd.s32 s21, s3  }
0x9d: {  	[timem:s7], [sflag:s22] =	dma.local [hbm:s5], s20  }
0x9e: {  	_ =	swait.ge [sflag:s22], s20  }
0x9f: {  	s4 =	ssub.s32 $0x0, s20;
	[sflag:s22] =	ssyncset.done $0x0  }
0xa0: {  	[sflag:s22] =	ssyncadd.s32 s4;
	_ =	sdelay $0x1  }
0xa1: {  	s23 =	simm.s32 $0x1B8B  }
0xa2: {  	_ =	swait.ge [sflag:s23], $0x1  }
0xa3: {  	[sflag:s23] =	ssyncset.done $0x0  }
0xa4: {  	s25 =	simm.s32 $0x1B8E;
	s24 =	sld [smem:$0x3FFE];
	[sflag:s23] =	ssyncadd.s32 $0xFFFFFFFF  }
0xa5: {  	s26 =	simm.s32 $execute0_lowered;
	[smem:$0x3FD2] =	sst s25  }
0xa6: {  	s5 =	sshll.u32 s26, $0x1;
	_ =	strace $0x80000049;
	[dreg:$0x1] =	wrdreg $0xFFFFFFFF  }
0xa7: {  	s28 =	simm.s32 $_size_execute0_lowered;
	s3 =	sadd.s32 s3, s5;
	[dreg:$0x0] =	wrdreg $0x0  }
0xa8: {  	s5 =	sshll.u32 s28, $0x1;
	[dreg:$0x2] =	wrdreg s3  }
0xa9: {  	[dreg:$0x3] =	wrdreg s5  }
0xaa: {  	[dreg:$0x4] =	wrdreg $0xC0  }
0xab: {  	_ =	task [dreg:s7], $0x5FFFF  }
0xac: {  	[dreg:$0x1] =	wrdreg $0xFFFFFFFF  }
0xad: {  	[dreg:$0x0] =	wrdreg $0x60  }
0xae: {  	[dreg:$0x2] =	wrdreg s24  }
0xaf: {  	[dreg:$0x3] =	wrdreg s2  }
0xb0: {  	[dreg:$0x4] =	wrdreg $0x9  }
0xb1: {  	_ =	task.clear_ibuf [dreg:s7], $0x5FFFF;
	_ =	strace $0x90000049  }
0xb2: {  	s29 =	simm.s32 $0x9;
	_ =	strace $0x8000004B  }
0xb3: {  	_ =	swait.ge [sflag:s29], $0x1  }
0xb4: {  	[sflag:s29] =	ssyncadd.s32 $0xFFFFFFFF  }
0xb5: {  	_ =	strace $0x9000004B  }
0xb6: {  	_ =	sfence  }
0xb7: {  	s30 =	sld [smem:$0x0];
	_ =	sdelay $0x2  }
0xb8: {  	s31 =	sshll.u32 s1, $0xD;
	s1 =	sshrl.u32 s1, $0x2  }
0xb9: {  	s3 =	sand.u32 $0x4000, s31;
	s1 =	sadd.s32 s1, s30  }
0xba: {  	s0 =	sor.u32 s3, s0;
	s1 =	sshll.u32 s1, $0x11  }
0xbb: {  	s0 =	sor.u32 s1, s0  }
0xbc: {  	s0 =	sadd.s32 $0x8F2B, s0  }
0xbd: {  	[sflag:s0] =	ssyncadd.remote.s32 $0x1  }
0xbe: {  	_ =	sfence.sel $0xFFFF  }
0xbf: {  	[dreg:$0x0] =	wrdreg $0xFFFFFFFF;
	(pc) =	sbr.abs _section_cstart, $3  }
0xc0: {  	[dreg:$0x1] =	wrdreg $0xFFFFFFFF  }
0xc1: {  	_ =	task.clear_ibuf [dreg:s7], $0x2FFFF;
	_ =	strace $0x9FFFFFFF  }
0xc2: {  	(tm) =	ssettm $0x7FFFFFFF  }
0xc3: {  	_ =	shalt  }
tec
execute0_lowered:
.L_overlay_start_1:
0x0: {  	(tag) =	ssettag $0x1  }
0x1: {  	s1 =	srdreg.scid;
	s5 =	rddreg [dreg:$0x0]  }
0x2: {  	s0 =	stileid.u32;
	s2 =	rddreg [dreg:$0x1];
	s6 =	simm.s32 $0x1  }
0x3: {  	s9 =	simm.s32 $0x1;
	s10 =	simm.s32 $0x3;
	s1 =	sshll.u32 s1, $0x9  }
0x4: {  	s13 =	simm.s32 $0x0;
	s3 =	sshll.u32 s0, $0xA;
	s4 =	sand.u32 $0x200, s1  }
0x5: {  	s12 =	simm.s32 $0x0;
	s1 =	rddreg [dreg:$0x2];
	s3 =	sor.u32 s3, s4  }
0x6: {  	_ =	strace $0x8000004A;
	s4 =	sadd.s32 $0x44C00, s5;
	s8 =	ssub.s32 $0x6000, s3  }
.Ltmp0:
0x7: {  	s5 =	sadd.s32 $0x8AC00, s5;
	s7 =	sand.u32 $0x3E00, s8;
	(pc) =	sbr.rel .LBB2_1-.Ltmp0, $4  }
0x8: {  	[sflag:s6] =	ssyncpa.u1 $0x0;
	s11 =	smov.u32 s3;
	p0 =	sne.s32 s7, $0x0  }
0x9: {  	s8 =	sshrl.u32 s8, $0xE;
	s7 =	simm.s32 $0x2;
	s9 =	simm.s32 @!p0 $0x0  }
0xa: {  	[sflag:s7] =	ssyncpa.u1 $0x0;
	p0 =	por $0x0, $0x0;
	s8 =	sadd.s32 s9, s8  }
0xb: {  	vm0 =	vmmov $0xffff;
	[sflag:s10] =	ssyncpa.u1 $0x0;
	s10 =	simm.s32 $0x0;
	s9 =	sadd.s32 $0x1, s8  }
.LBB2_4:
0xc: {  	v3 =	vshrl.u32 v0, $0xD;
	v62 =	vshll.u32 v0, $0x13;
	v2 =	vand.u32 $0x7FF80, v2  }
0xd: {  	v3 =	vand.u32 $0x3, v3;
	v0 =	vand.u32 $0x80000, v62;
	v2 =	vsel vm1, $0xFFFFFF80, v2  }
0xe: {  	v3 =	vsel vm1, $0xFFFFFFFF, v3;
	v0 =	vsel vm1, $0xFFF80000, v0;
	v4 =	vand.u32 $0xFFFFFC00, v2  }
0xf: {  	v0 =	vadd.s32 v0, v4;
	v63 =	vand.u32 $0xFFFFFC00, v3  }
0x10: {  	v2 =	vand.u32 $0x380, v2;
	v0 =	vadd.s32 v63, v0  }
0x11: {  	v3 =	vand.u32 $0x7F, v3;
	v0 =	vor.u32 v2, v0  }
0x12: {  	v0 =	vor.u32 v3, v0;
	_ =	sdelay $0x1  }
0x13: {  	(ifvalue) =	ssetifvalue $0x7FFFFFFF;
	s15 =	sadd.s32 $0x10, s15  }
0x14: {  	[tilespmem:s15], [sflag:$0x1] =	stream.indirect_vreg.gather [hbm4b:s4+s10], $0x1, v1, vm0, $0x4038;
	[tilespmem:$0x800] =	vst v63  }
0x15: {  	(ifvalue) =	ssetifvalue $0x7FFFFFFF;
	s15 =	sadd.s32 $0x10, s15  }
0x16: {  	[tilespmem:s15], [sflag:$0x1] =	stream.indirect_vreg.gather [hbm4b:s4+s10], $0x1, v0, vm0, $0x4038;
	[tilespmem:$0x800] =	vst v63  }
0x17: {  	_ =	swait.ge [sflag:s6], $0x200  }
0x18: {  	s30 =	sshrl.u32 s13, $0x3;
	[sflag:s6] =	ssyncset.done $0x0  }
0x19: {  	s31 =	sand.u32 $0x7, s13;
	s15 =	sadd.s32 s5, s30;
	[sflag:s6] =	ssyncadd.s32 $0xFFFFFE00  }
0x1a: {  	[hbm4b:s15+s31] =	stream.linear.scatter [tilespmem:s14], [sflag:$0x3], $0x200, $0x38;
	[tilespmem:$0x800] =	vst v63  }
.LBB2_5:
0x1b: {  	s15 =	sadd.s32 $0x4000, s11  }
0x1c: {  	p2 =	sgt.s32 s15, $0x5FFF  }
0x1d: {  	s15 =	smov.u32 @p2 s3;
	p2 =	sne.s32 s12, s9  }
.Ltmp1:
0x1e: {  	p1 =	slt.u32 s12, $0x2;
	(pc) =	sbr.rel @!p2 .LBB2_6-.Ltmp1, $4  }
0x1f: {  	s14 =	simm.s32 @!p1 $0x3  }
0x20: {  	s16 =	sadd.s32 $0x1, s12;
	_ =	swait.ge @!p1 [sflag:s14], $0x200  }
0x21: {  	s13 =	smov.u32 s11;
	p0 =	por !p0, !p0;
	[sflag:s14] =	ssyncset.done @!p1 $0x0  }
0x22: {  	s12 =	smov.u32 s16;
	s11 =	smov.u32 s15;
	[sflag:s14] =	ssyncadd.s32 @!p1 $0xFFFFFE00  }
.LBB2_1:
0x23: {  	p1 =	sge.u32 s12, s8  }
0x24: {  	s14 =	sxor.u32 @!p1 $0xFFFFFFFF, s12  }
0x25: {  	s31 =	sadd.s32 $0xFFFFFFFF, s12;
	s15 =	sshrl.u32 @!p1 s11, $0x3;
	s14 =	sshll.u32 @!p1 s14, $0x9  }
0x26: {  	s16 =	sand.u32 @!p1 $0x7, s11;
	s15 =	sadd.s32 @!p1 s2, s15;
	s14 =	sand.u32 @!p1 $0x200, s14  }
0x27: {  	[tilespmem:s14], [sflag:$0x2] =	stream.linear.gather @!p1 [hbm4b:s15+s16], $0x200, $0x38;
	[tilespmem:$0x800] =	vst v63  }
0x28: {  	p1 =	sge.u32 s31, s8  }
.Ltmp2:
0x29: {  	_ = 	snop;
	(pc) =	sbr.rel @p1 .LBB2_5-.Ltmp2, $1  }
0x2a: {  	_ =	sdelay $0x3  }
0x2b: {  	s14 =	simm.s32 $0x1  }
0x2c: {  	_ =	swait.ge [sflag:s7], $0x200;
	s14 =	simm.s32 @!p0 $0x0  }
0x2d: {  	[sflag:s7] =	ssyncset.done $0x0;
	s14 =	sshll.u32 s14, $0x9  }
0x2e: {  	[sflag:s7] =	ssyncadd.s32 $0xFFFFFE00;
	(ifvalue) =	ssetifvalue $0x7FFFFFFF;
	v0 =	vld.msk [tilespmem:s14+$0x0 ss:$0x1], $0xffff;
	_ =	sdelay $0x2  }
0x2f: {  	s15 =	sadd.s32 $0x10, s14  }
0x30: {  	v3 =	vld.msk [tilespmem:s15+$0x0 ss:$0x1], $0xffff  }
0x31: {  	vm1 =	veq.s32 v0, $0x80000000;
	v1 =	vshll.u32 v0, $0x6  }
0x32: {  	v2 =	vshrl.u32 v0, $0xD;
	v0 =	vshll.u32 v0, $0x13;
	v1 =	vand.u32 $0x7FF80, v1  }
0x33: {  	v2 =	vand.u32 $0x3, v2;
	v0 =	vand.u32 $0x80000, v0;
	v1 =	vsel vm1, $0xFFFFFF80, v1  }
0x34: {  	v2 =	vsel vm1, $0xFFFFFFFF, v2;
	v0 =	vsel vm1, $0xFFF80000, v0;
	v4 =	vand.u32 $0xFFFFFC00, v1  }
0x35: {  	v62 =	vshrl.u32 v3, $0xD;
	v61 =	vand.u32 $0xFFFFFC00, v2;
	v0 =	vadd.s32 v0, v4  }
0x36: {  	vm1 =	veq.s32 v3, $0x80000000;
	v1 =	vand.u32 $0x380, v1;
	v0 =	vadd.s32 v61, v0  }
0x37: {  	v2 =	vand.u32 $0x7F, v2;
	v0 =	vor.u32 v1, v0;
	v1 =	vshll.u32 v3, $0x6  }
0x38: {  	s17 =	sadd.s32 $0x10, s15;
	v4 =	vand.u32 $0x3, v62;
	v3 =	vshll.u32 v3, $0x13;
	v1 =	vand.u32 $0x7FF80, v1  }
0x39: {  	v2 =	vor.u32 v2, v0;
	v0 =	vld.msk [tilespmem:s17+$0x0 ss:$0x1], $0xffff;
	v3 =	vand.u32 $0x80000, v3;
	v1 =	vsel vm1, $0xFFFFFF80, v1  }
0x3a: {  	v4 =	vsel vm1, $0xFFFFFFFF, v4;
	v3 =	vsel vm1, $0xFFF80000, v3;
	v5 =	vand.u32 $0xFFFFFC00, v1  }
0x3b: {  	s31 =	sshll.u32 s12, $0x9;
	v63 =	vand.u32 $0xFFFFFC00, v4;
	v3 =	vadd.s32 v3, v5  }
0x3c: {  	s16 =	simm.s32 $0x20;
	s15 =	sor.u32 $0x400, s14;
	s14 =	sand.u32 $0x200, s31;
	v1 =	vand.u32 $0x380, v1;
	v3 =	vadd.s32 v63, v3  }
0x3d: {  	s14 =	sor.u32 $0x400, s14;
	v4 =	vand.u32 $0x7F, v4;
	(ifvalue) =	ssetifvalue $0x7FFFFFFF;
	s17 =	sadd.s32 $0x10, s17;
	v1 =	vor.u32 v1, v3  }
0x3e: {  	[tilespmem:s15], [sflag:$0x1] =	stream.indirect_vreg.gather [hbm4b:s4+s10], $0x1, v2, vm0, $0x4038;
	vm1 =	veq.s32 v0, $0x80000000;
	v2 =	vshll.u32 v0, $0x6;
	v1 =	vor.u32 v4, v1;
	[tilespmem:$0x800] =	vst v63  }
.LBB2_3:
0x3f: {  	s16 =	sadd.s32 $0x10, s16;
	v3 =	vshrl.u32 v0, $0xD;
	v4 =	vshll.u32 v0, $0x13;
	v0 =	vld.msk [tilespmem:s17+$0x0 ss:$0x1], $0xffff;
	v2 =	vand.u32 $0x7FF80, v2  }
0x40: {  	p1 =	slt.u32 s16, $0x1F0;
	v3 =	vand.u32 $0x3, v3;
	v4 =	vand.u32 $0x80000, v4;
	v2 =	vsel vm1, $0xFFFFFF80, v2  }
.Ltmp3:
0x41: {  	v3 =	vsel vm1, $0xFFFFFFFF, v3;
	v4 =	vsel vm1, $0xFFF80000, v4;
	v5 =	vand.u32 $0xFFFFFC00, v2;
	(pc) =	sbr.rel @p1 .LBB2_3-.Ltmp3, $4  }
0x42: {  	s15 =	sadd.s32 $0x10, s15;
	v4 =	vadd.s32 v4, v5;
	v5 =	vand.u32 $0xFFFFFC00, v3;
	(ifvalue) =	ssetifvalue $0x7FFFFFFF  }
0x43: {  	v2 =	vand.u32 $0x380, v2;
	v4 =	vadd.s32 v5, v4;
	[tilespmem:s15], [sflag:$0x1] =	stream.indirect_vreg.gather [hbm4b:s4+s10], $0x1, v1, vm0, $0x4038;
	[tilespmem:$0x800] =	vst v63  }
0x44: {  	v1 =	vand.u32 $0x7F, v3;
	v3 =	vor.u32 v2, v4  }
0x45: {  	s17 =	sadd.s32 $0x10, s17;
	vm1 =	veq.s32 v0, $0x80000000;
	v2 =	vshll.u32 v0, $0x6;
	v1 =	vor.u32 v1, v3  }
.Ltmp4:
0x46: {  	_ = 	snop;
	(pc) =	sbr.rel .LBB2_4-.Ltmp4, $1  }
0x47: {  	_ =	sdelay $0x3  }
.LBB2_6:
0x48: {  	_ =	sfence.sel $0x180000  }
0x49: {  	s2 =	simm.s32 $0x2;
	[bflag:$0x0] =	sbarrier.arrive $0xFFFF  }
0x4a: {  	s30 =	simm.s32 $0x3;
	[sflag:s2] =	ssyncpa.u1 $0x1  }
0x4b: {  	s31 =	simm.s32 $0x1;
	[sflag:s30] =	ssyncpa.u1 $0x1  }
0x4c: {  	[sflag:s31] =	ssyncpa.u1 $0x1  }
0x4d: {  	p0 =	sne.s32 s0, $0x0;
	_ =	strace $0x9000004A  }
0x4e: {  	s0 =	sadd.s32 @!p0 $0x100000, s1;
	[bflag:$0x2] =	sbarrier.arrive $0xFFFF  }
0x4f: {  	[sflag:s0] =	ssyncadd.tile.s32 @!p0 $0x1;
	_ =	shalt  }
.Lfunc_end2:
_tile_overlayer_lowered:
.L_overlay_start_2:
0x50: {  	(tag) =	ssettag $0x2  }
0x51: {  	s0 =	rddreg [dreg:$0x0];
	s2 =	stileid.u32  }
0x52: {  	s1 =	rddreg [dreg:$0x1];
	p0 =	sne.s32 s2, $0x0  }
0x53: {  	s3 =	rddreg [dreg:$0x2];
	[bflag:$0x3] =	sbarrier.arrive $0xFFFF;
	s2 =	simm.s32 @!p0 $0x1C01  }
0x54: {  	[timem:s3], [sflag:s2] =	dma.local @!p0 [hbm:s0], s1  }
0x55: {  	s0 =	simm.s32 @!p0 $0x1  }
0x56: {  	_ =	swait.ge @!p0 [sflag:s0], s1  }
0x57: {  	s1 =	ssub.s32 @!p0 $0x0, s1;
	[sflag:s0] =	ssyncset.done @!p0 $0x0  }
0x58: {  	[sflag:s0] =	ssyncadd.s32 @!p0 s1  }
0x59: {  	[bflag:$0x3] =	sbarrier.arrive $0xFFFF  }
0x5a: {  	_ =	shalt  }

// kernel: gather_offload_async_start
scs
__scs_entry_jumppad:
0x0: {  	(pc) =	sbr.rel $0x88, $3  }
0x1: {  	(tag) =	ssettag $0x0;
	lr =	simm.s32 $0x1  }
0x2: {  	[smem:$0x3F90] =	sst lr;
	_ =	strace $0xD0000000  }
0x3: {  	_ = 	snop  }
0x4: {  	_ = 	snop  }
0x5: {  	_ = 	snop  }
0x6: {  	_ = 	snop  }
0x7: {  	_ = 	snop  }
__scs_overlays_trampoline_lowered:
0x8: {  	[smem:$0x3F9F] =	sst s0  }
0x9: {  	[smem:$0x3FA0] =	sst s1  }
0xa: {  	[smem:$0x3FA1] =	sst s2  }
0xb: {  	[smem:$0x3FA2] =	sst s3  }
0xc: {  	[smem:$0x3FA3] =	sst s4  }
0xd: {  	[smem:$0x3FA4] =	sst s5  }
0xe: {  	[smem:$0x3FA5] =	sst s6  }
0xf: {  	[smem:$0x3FA6] =	sst s7  }
0x10: {  	[smem:$0x3FA7] =	sst s8  }
0x11: {  	[smem:$0x3FA8] =	sst s9;
	s0 =	simm.s32 @!p0 $0x0  }
0x12: {  	s1 =	sld [smem:$0x3F8E];
	s0 =	simm.s32 @p0 $0x1  }
0x13: {  	[smem:$0x3FA9] =	sst s0;
	s0 =	simm.s32 @!p1 $0x0  }
0x14: {  	s2 =	sld [smem:$0x3F8D];
	s0 =	simm.s32 @p1 $0x1  }
0x15: {  	[smem:$0x3FAA] =	sst s0;
	s0 =	simm.s32 @!p2 $0x0  }
0x16: {  	s3 =	sld [smem:$0x3FDB];
	s0 =	simm.s32 @p2 $0x1  }
0x17: {  	s4 =	simm.s32 $0x1BF5;
	[smem:$0x3FAC] =	sst s0  }
0x18: {  	s0 =	sld [smem:$0x3F8F];
	_ =	swait.ge [sflag:s4], $0x0  }
0x19: {  	s7 =	sld [smem:$0x3F90]  }
0x1a: {  	s8 =	sadd.s32 $0xFFFFE003, lr  }
0x1b: {  	s9 =	sadd.s32 $0xFFFFFEF7, lr;
	s5 =	simm.s32 $0xFFFFFFFF;
	p2 =	slt.u32 s8, $0xFFFFF086  }
0x1c: {  	p1 =	slt.u32 s9, $0xF7A;
	s5 =	simm.s32 @!p2 $0x0  }
0x1d: {  	s5 =	simm.s32 @p1 $0x1;
	p0 =	seq.s32 s7, s2  }
0x1e: {  	s7 =	smul.u32 @!p0 $0xF7A, s2;
	p2 =	seq.s32 @!p0 s5, $0x0  }
0x1f: {  	s9 =	smul.u32 $0xF7A, s1;
	s8 =	simm.s32 @!p0 $0x1BF5;
	p2 =	por !p2, p0  }
0x20: {  	[sflag:s8] =	ssyncset.s32 @!p0 $0xFFFFF086;
	s6 =	sadd.s32 @!p0 s3, s7;
	s7 =	simm.s32 @!p0 $0x108  }
0x21: {  	s3 =	sadd.s32 s3, s9;
	s6 =	sadd.s32 @!p0 $0x88, s6;
	s7 =	simm.s32 @p2 $0x1082  }
0x22: {  	[simem:s7], [sflag:s8] =	dma.local @!p0 [hbm:s6], $0xF7A  }
0x23: {  	s9 =	sor.u32 $0xD0000000, s2;
	s6 =	simm.s32 $0x108;
	_ =	swait.ge @!p0 [sflag:s8], $0x0  }
0x24: {  	s3 =	sadd.s32 $0x88, s3;
	s6 =	simm.s32 @!p1 $0x1082;
	[sflag:s4] =	ssyncset.s32 $0xFFFFF086  }
0x25: {  	[simem:s6], [sflag:s4] =	dma.local [hbm:s3], $0xF7A  }
0x26: {  	[smem:$0x3F90] =	sst s1;
	(tag) =	ssettag s2;
	_ =	strace s9  }
0x27: {  	s1 =	sld [smem:$0x3FA0]  }
0x28: {  	s2 =	sld [smem:$0x3FA1]  }
0x29: {  	s4 =	sld [smem:$0x3FA3]  }
0x2a: {  	p0 =	seq.s32 s5, $0x0;
	s5 =	sld [smem:$0x3FA4]  }
0x2b: {  	s6 =	sld [smem:$0x3FA5]  }
0x2c: {  	s7 =	sld [smem:$0x3FA6]  }
0x2d: {  	s3 =	simm.s32 $0x108;
	s8 =	sld [smem:$0x3FA7]  }
0x2e: {  	s3 =	simm.s32 @!p0 $0x1082;
	s9 =	sld [smem:$0x3FA8]  }
0x2f: {  	lr =	sadd.s32 s0, s3;
	s0 =	sld [smem:$0x3F9F]  }
0x30: {  	s3 =	sld [smem:$0x3FA2]  }
0x31: {  	[smem:$0x3FAB] =	sst s10  }
0x32: {  	s10 =	sld [smem:$0x3FA9];
	_ =	sdelay $0x3  }
0x33: {  	p0 =	seq.s32 s10, $0x1;
	s10 =	sld [smem:$0x3FAB];
	_ =	sdelay $0x3  }
0x34: {  	[smem:$0x3FAB] =	sst s10  }
0x35: {  	s10 =	sld [smem:$0x3FAA];
	_ =	sdelay $0x3  }
0x36: {  	p1 =	seq.s32 s10, $0x1;
	s10 =	sld [smem:$0x3FAB];
	_ =	sdelay $0x3  }
0x37: {  	[smem:$0x3FAB] =	sst s10  }
0x38: {  	s10 =	sld [smem:$0x3FAC]  }
0x39: {  	_ = 	snop;
	(pc) =	sbr.ind lr, $3  }
0x3a: {  	_ = 	snop  }
0x3b: {  	_ = 	snop  }
0x3c: {  	p2 =	seq.s32 s10, $0x1;
	s10 =	sld [smem:$0x3FAB]  }
0x3d: {  	_ =	shalt  }
0x3e: {  	_ =	shalt  }
0x3f: {  	_ =	shalt  }
0x40: {  	_ =	shalt  }
0x41: {  	_ =	shalt  }
0x42: {  	_ =	shalt  }
0x43: {  	_ =	shalt  }
0x44: {  	_ =	shalt  }
0x45: {  	_ =	shalt  }
0x46: {  	_ =	shalt  }
0x47: {  	_ =	shalt  }
0x48: {  	_ =	shalt  }
0x49: {  	_ =	shalt  }
0x4a: {  	_ =	shalt  }
0x4b: {  	_ =	shalt  }
0x4c: {  	_ =	shalt  }
0x4d: {  	_ =	shalt  }
0x4e: {  	_ =	shalt  }
0x4f: {  	_ =	shalt  }
0x50: {  	_ =	shalt  }
0x51: {  	_ =	shalt  }
0x52: {  	_ =	shalt  }
0x53: {  	_ =	shalt  }
0x54: {  	_ =	shalt  }
0x55: {  	_ =	shalt  }
0x56: {  	_ =	shalt  }
0x57: {  	_ =	shalt  }
0x58: {  	_ =	shalt  }
0x59: {  	_ =	shalt  }
0x5a: {  	_ =	shalt  }
0x5b: {  	_ =	shalt  }
0x5c: {  	_ =	shalt  }
0x5d: {  	_ =	shalt  }
0x5e: {  	_ =	shalt  }
0x5f: {  	_ =	shalt  }
0x60: {  	_ =	shalt  }
0x61: {  	_ =	shalt  }
0x62: {  	_ =	shalt  }
0x63: {  	_ =	shalt  }
0x64: {  	_ =	shalt  }
0x65: {  	_ =	shalt  }
0x66: {  	_ =	shalt  }
0x67: {  	_ =	shalt  }
0x68: {  	_ =	shalt  }
0x69: {  	_ =	shalt  }
0x6a: {  	_ =	shalt  }
0x6b: {  	_ =	shalt  }
0x6c: {  	_ =	shalt  }
0x6d: {  	_ =	shalt  }
0x6e: {  	_ =	shalt  }
0x6f: {  	_ =	shalt  }
0x70: {  	_ =	shalt  }
0x71: {  	_ =	shalt  }
0x72: {  	_ =	shalt  }
0x73: {  	_ =	shalt  }
0x74: {  	_ =	shalt  }
0x75: {  	_ =	shalt  }
0x76: {  	_ =	shalt  }
0x77: {  	_ =	shalt  }
0x78: {  	_ =	shalt  }
0x79: {  	_ =	shalt  }
0x7a: {  	_ =	shalt  }
0x7b: {  	_ =	shalt  }
0x7c: {  	_ =	shalt  }
0x7d: {  	_ =	shalt  }
0x7e: {  	_ =	shalt  }
0x7f: {  	_ =	shalt  }
0x80: {  	_ =	shalt  }
0x81: {  	_ =	shalt  }
0x82: {  	_ =	shalt  }
0x83: {  	_ =	shalt  }
0x84: {  	_ =	shalt  }
0x85: {  	_ =	shalt  }
0x86: {  	_ =	shalt  }
0x87: {  	_ =	shalt  }
.Lfunc_end0:
.L_simem_size_0:
called_computation_lowered:
.L_overlay_start_0:
0x88: {  	s2 =	sld [smem:$0x3FD9]  }
0x89: {  	s3 =	sld [smem:$0x3FFE];
	_ =	sdelay $0x1  }
0x8a: {  	s1 =	srdreg.scid  }
0x8b: {  	s0 =	sand.u32 $0x1, s1  }
0x8c: {  	s16 =	sshll.u32 s0, $0xA;
	s2 =	sadd.s32 s3, s2  }
0x8d: {  	s2 =	sadd.s32 s2, s16  }
0x8e: {  	[smem:$0x3FB7] =	sst s2  }
0x8f: {  	_ = 	snop  }
0x90: {  	(tm) =	ssettm $0x1  }
0x91: {  	s17 =	sld [smem:$0x3FFB];
	_ =	sdelay $0x3  }
0x92: {  	_ =	strace s17  }
0x93: {  	s2 =	sld [smem:$0x3FFC];
	_ =	sdelay $0x3  }
0x94: {  	_ =	strace s2  }
0x95: {  	s2 =	sld [smem:$0x3FFD];
	_ =	sdelay $0x3  }
0x96: {  	_ =	strace s2  }
0x97: {  	_ =	strace $0x8FFFFFFF  }
0x98: {  	s18 =	sld [smem:$0x3FDB];
	_ =	sdelay $0x1  }
0x99: {  	s19 =	simm.s32 $_scs_section_size  }
0x9a: {  	s4 =	simm.s32 $_size__tile_overlayer_lowered;
	s5 =	simm.s32 $_tile_overlayer_lowered  }
0x9b: {  	s22 =	simm.s32 $0x1BFF;
	s21 =	sshll.u32 s5, $0x1;
	s2 =	sadd.s32 s19, s18  }
0x9c: {  	s6 =	simm.s32 $0x0;
	s20 =	sshll.u32 s4, $0x1;
	s4 =	sadd.s32 s21, s2  }
0x9d: {  	[timem:s6], [sflag:s22] =	dma.local [hbm:s4], s20  }
0x9e: {  	_ =	swait.ge [sflag:s22], s20  }
0x9f: {  	s3 =	ssub.s32 $0x0, s20;
	[sflag:s22] =	ssyncset.done $0x0  }
0xa0: {  	[sflag:s22] =	ssyncadd.s32 s3;
	_ =	sdelay $0x1  }
0xa1: {  	s23 =	simm.s32 $0x1B8B  }
0xa2: {  	_ =	swait.ge [sflag:s23], $0x1  }
0xa3: {  	[sflag:s23] =	ssyncset.done $0x0  }
0xa4: {  	s25 =	simm.s32 $0x1B8E;
	s24 =	sld [smem:$0x3FFE];
	[sflag:s23] =	ssyncadd.s32 $0xFFFFFFFF  }
0xa5: {  	s26 =	simm.s32 $execute0_lowered;
	[smem:$0x3FD2] =	sst s25  }
0xa6: {  	s4 =	sshll.u32 s26, $0x1;
	_ =	strace $0x80000046;
	[dreg:$0x1] =	wrdreg $0xFFFFFFFF  }
0xa7: {  	s28 =	simm.s32 $_size_execute0_lowered;
	s2 =	sadd.s32 s2, s4;
	[dreg:$0x0] =	wrdreg $0x0  }
0xa8: {  	s4 =	sshll.u32 s28, $0x1;
	[dreg:$0x2] =	wrdreg s2  }
0xa9: {  	[dreg:$0x3] =	wrdreg s4  }
0xaa: {  	[dreg:$0x4] =	wrdreg $0xC0  }
0xab: {  	_ =	task [dreg:s6], $0x5FFFF  }
0xac: {  	[dreg:$0x1] =	wrdreg $0xFFFFFFFF  }
0xad: {  	[dreg:$0x0] =	wrdreg $0x60  }
0xae: {  	[dreg:$0x2] =	wrdreg s24  }
0xaf: {  	[dreg:$0x3] =	wrdreg $0x9  }
0xb0: {  	_ =	task.clear_ibuf [dreg:s6], $0x4FFFF;
	_ =	strace $0x90000046  }
0xb1: {  	s29 =	simm.s32 $0x9;
	_ =	strace $0x80000048  }
0xb2: {  	_ =	swait.ge [sflag:s29], $0x1  }
0xb3: {  	[sflag:s29] =	ssyncadd.s32 $0xFFFFFFFF  }
0xb4: {  	_ =	strace $0x90000048  }
0xb5: {  	_ =	sfence  }
0xb6: {  	s30 =	sld [smem:$0x0];
	_ =	sdelay $0x2  }
0xb7: {  	s31 =	sshll.u32 s1, $0xD;
	s1 =	sshrl.u32 s1, $0x2  }
0xb8: {  	s3 =	sand.u32 $0x4000, s31;
	s1 =	sadd.s32 s1, s30  }
0xb9: {  	s0 =	sor.u32 s3, s0;
	s1 =	sshll.u32 s1, $0x11  }
0xba: {  	s0 =	sor.u32 s1, s0  }
0xbb: {  	s0 =	sadd.s32 $0x8F2B, s0  }
0xbc: {  	[sflag:s0] =	ssyncadd.remote.s32 $0x1  }
0xbd: {  	_ =	sfence.sel $0xFFFF  }
0xbe: {  	[dreg:$0x0] =	wrdreg $0xFFFFFFFF;
	(pc) =	sbr.abs _section_cstart, $3  }
0xbf: {  	[dreg:$0x1] =	wrdreg $0xFFFFFFFF  }
0xc0: {  	_ =	task.clear_ibuf [dreg:s6], $0x2FFFF;
	_ =	strace $0x9FFFFFFF  }
0xc1: {  	(tm) =	ssettm $0x7FFFFFFF  }
tec
execute0_lowered:
.L_overlay_start_1:
0x0: {  	(tag) =	ssettag $0x1  }
0x1: {  	s0 =	srdreg.scid;
	s5 =	rddreg [dreg:$0x0]  }
0x2: {  	s1 =	stileid.u32;
	s6 =	simm.s32 $0x1;
	s9 =	simm.s32 $0x1  }
0x3: {  	s10 =	simm.s32 $0x3;
	s13 =	simm.s32 $0x0;
	s2 =	sshll.u32 s0, $0x9  }
0x4: {  	s12 =	simm.s32 $0x0;
	s3 =	sshll.u32 s1, $0xA;
	s2 =	sand.u32 $0x200, s2  }
0x5: {  	s0 =	rddreg [dreg:$0x1];
	_ =	strace $0x80000047;
	s2 =	sor.u32 s3, s2  }
0x6: {  	s4 =	sadd.s32 $0xE4C00, s5;
	[sflag:s6] =	ssyncpa.u1 $0x0;
	s8 =	ssub.s32 $0x6000, s2  }
.Ltmp0:
0x7: {  	s3 =	sadd.s32 $0x8F400, s5;
	s7 =	sand.u32 $0x3E00, s8;
	(pc) =	sbr.rel .LBB2_1-.Ltmp0, $4  }
0x8: {  	s5 =	sadd.s32 $0xAF400, s5;
	s11 =	smov.u32 s2;
	p0 =	sne.s32 s7, $0x0  }
0x9: {  	s8 =	sshrl.u32 s8, $0xE;
	s7 =	simm.s32 $0x2;
	s9 =	simm.s32 @!p0 $0x0  }
0xa: {  	[sflag:s7] =	ssyncpa.u1 $0x0;
	p0 =	por $0x0, $0x0;
	s8 =	sadd.s32 s9, s8  }
0xb: {  	vm0 =	vmmov $0xffff;
	[sflag:s10] =	ssyncpa.u1 $0x0;
	s10 =	simm.s32 $0x0;
	s9 =	sadd.s32 $0x1, s8  }
.LBB2_4:
0xc: {  	v3 =	vshrl.u32 v0, $0xD;
	v62 =	vshll.u32 v0, $0x13;
	v2 =	vand.u32 $0x7FF80, v2  }
0xd: {  	v3 =	vand.u32 $0x3, v3;
	v0 =	vand.u32 $0x80000, v62;
	v2 =	vsel vm1, $0xFFFFFF80, v2  }
0xe: {  	v3 =	vsel vm1, $0xFFFFFFFF, v3;
	v0 =	vsel vm1, $0xFFF80000, v0;
	v4 =	vand.u32 $0xFFFFFC00, v2  }
0xf: {  	v0 =	vadd.s32 v0, v4;
	v63 =	vand.u32 $0xFFFFFC00, v3  }
0x10: {  	v2 =	vand.u32 $0x380, v2;
	v0 =	vadd.s32 v63, v0  }
0x11: {  	v3 =	vand.u32 $0x7F, v3;
	v0 =	vor.u32 v2, v0  }
0x12: {  	v0 =	vor.u32 v3, v0;
	_ =	sdelay $0x1  }
0x13: {  	(ifvalue) =	ssetifvalue $0x7FFFFFFF;
	s15 =	sadd.s32 $0x10, s15  }
0x14: {  	[tilespmem:s15], [sflag:$0x1] =	stream.indirect_vreg.gather [hbm4b:s3+s10], $0x1, v1, vm0, $0x4038;
	[tilespmem:$0x800] =	vst v63  }
0x15: {  	(ifvalue) =	ssetifvalue $0x7FFFFFFF;
	s15 =	sadd.s32 $0x10, s15  }
0x16: {  	[tilespmem:s15], [sflag:$0x1] =	stream.indirect_vreg.gather [hbm4b:s3+s10], $0x1, v0, vm0, $0x4038;
	[tilespmem:$0x800] =	vst v63  }
0x17: {  	_ =	swait.ge [sflag:s6], $0x200  }
0x18: {  	s30 =	sshrl.u32 s13, $0x3;
	[sflag:s6] =	ssyncset.done $0x0  }
0x19: {  	s31 =	sand.u32 $0x7, s13;
	s15 =	sadd.s32 s5, s30;
	[sflag:s6] =	ssyncadd.s32 $0xFFFFFE00  }
0x1a: {  	[hbm4b:s15+s31] =	stream.linear.scatter [tilespmem:s14], [sflag:$0x3], $0x200, $0x38;
	[tilespmem:$0x800] =	vst v63  }
.LBB2_5:
0x1b: {  	s15 =	sadd.s32 $0x4000, s11  }
0x1c: {  	p2 =	sgt.s32 s15, $0x5FFF  }
0x1d: {  	s15 =	smov.u32 @p2 s2;
	p2 =	sne.s32 s12, s9  }
.Ltmp1:
0x1e: {  	p1 =	slt.u32 s12, $0x2;
	(pc) =	sbr.rel @!p2 .LBB2_6-.Ltmp1, $4  }
0x1f: {  	s14 =	simm.s32 @!p1 $0x3  }
0x20: {  	s16 =	sadd.s32 $0x1, s12;
	_ =	swait.ge @!p1 [sflag:s14], $0x200  }
0x21: {  	s13 =	smov.u32 s11;
	p0 =	por !p0, !p0;
	[sflag:s14] =	ssyncset.done @!p1 $0x0  }
0x22: {  	s12 =	smov.u32 s16;
	s11 =	smov.u32 s15;
	[sflag:s14] =	ssyncadd.s32 @!p1 $0xFFFFFE00  }
.LBB2_1:
0x23: {  	p1 =	sge.u32 s12, s8  }
0x24: {  	s14 =	sxor.u32 @!p1 $0xFFFFFFFF, s12  }
0x25: {  	s31 =	sadd.s32 $0xFFFFFFFF, s12;
	s15 =	sshrl.u32 @!p1 s11, $0x3;
	s14 =	sshll.u32 @!p1 s14, $0x9  }
0x26: {  	s16 =	sand.u32 @!p1 $0x7, s11;
	s15 =	sadd.s32 @!p1 s4, s15;
	s14 =	sand.u32 @!p1 $0x200, s14  }
0x27: {  	[tilespmem:s14], [sflag:$0x2] =	stream.linear.gather @!p1 [hbm4b:s15+s16], $0x200, $0x38;
	[tilespmem:$0x800] =	vst v63  }
0x28: {  	p1 =	sge.u32 s31, s8  }
.Ltmp2:
0x29: {  	_ = 	snop;
	(pc) =	sbr.rel @p1 .LBB2_5-.Ltmp2, $1  }
0x2a: {  	_ =	sdelay $0x3  }
0x2b: {  	s14 =	simm.s32 $0x1  }
0x2c: {  	_ =	swait.ge [sflag:s7], $0x200;
	s14 =	simm.s32 @!p0 $0x0  }
0x2d: {  	[sflag:s7] =	ssyncset.done $0x0;
	s14 =	sshll.u32 s14, $0x9  }
0x2e: {  	[sflag:s7] =	ssyncadd.s32 $0xFFFFFE00;
	(ifvalue) =	ssetifvalue $0x7FFFFFFF;
	v0 =	vld.msk [tilespmem:s14+$0x0 ss:$0x1], $0xffff;
	_ =	sdelay $0x2  }
0x2f: {  	s15 =	sadd.s32 $0x10, s14  }
0x30: {  	v3 =	vld.msk [tilespmem:s15+$0x0 ss:$0x1], $0xffff  }
0x31: {  	vm1 =	veq.s32 v0, $0x80000000;
	v1 =	vshll.u32 v0, $0x6  }
0x32: {  	v2 =	vshrl.u32 v0, $0xD;
	v0 =	vshll.u32 v0, $0x13;
	v1 =	vand.u32 $0x7FF80, v1  }
0x33: {  	v2 =	vand.u32 $0x3, v2;
	v0 =	vand.u32 $0x80000, v0;
	v1 =	vsel vm1, $0xFFFFFF80, v1  }
0x34: {  	v2 =	vsel vm1, $0xFFFFFFFF, v2;
	v0 =	vsel vm1, $0xFFF80000, v0;
	v4 =	vand.u32 $0xFFFFFC00, v1  }
0x35: {  	v62 =	vshrl.u32 v3, $0xD;
	v61 =	vand.u32 $0xFFFFFC00, v2;
	v0 =	vadd.s32 v0, v4  }
0x36: {  	vm1 =	veq.s32 v3, $0x80000000;
	v1 =	vand.u32 $0x380, v1;
	v0 =	vadd.s32 v61, v0  }
0x37: {  	v2 =	vand.u32 $0x7F, v2;
	v0 =	vor.u32 v1, v0;
	v1 =	vshll.u32 v3, $0x6  }
0x38: {  	s17 =	sadd.s32 $0x10, s15;
	v4 =	vand.u32 $0x3, v62;
	v3 =	vshll.u32 v3, $0x13;
	v1 =	vand.u32 $0x7FF80, v1  }
0x39: {  	v2 =	vor.u32 v2, v0;
	v0 =	vld.msk [tilespmem:s17+$0x0 ss:$0x1], $0xffff;
	v3 =	vand.u32 $0x80000, v3;
	v1 =	vsel vm1, $0xFFFFFF80, v1  }
0x3a: {  	v4 =	vsel vm1, $0xFFFFFFFF, v4;
	v3 =	vsel vm1, $0xFFF80000, v3;
	v5 =	vand.u32 $0xFFFFFC00, v1  }
0x3b: {  	s31 =	sshll.u32 s12, $0x9;
	v63 =	vand.u32 $0xFFFFFC00, v4;
	v3 =	vadd.s32 v3, v5  }
0x3c: {  	s16 =	simm.s32 $0x20;
	s15 =	sor.u32 $0x400, s14;
	s14 =	sand.u32 $0x200, s31;
	v1 =	vand.u32 $0x380, v1;
	v3 =	vadd.s32 v63, v3  }
0x3d: {  	s14 =	sor.u32 $0x400, s14;
	v4 =	vand.u32 $0x7F, v4;
	(ifvalue) =	ssetifvalue $0x7FFFFFFF;
	s17 =	sadd.s32 $0x10, s17;
	v1 =	vor.u32 v1, v3  }
0x3e: {  	[tilespmem:s15], [sflag:$0x1] =	stream.indirect_vreg.gather [hbm4b:s3+s10], $0x1, v2, vm0, $0x4038;
	vm1 =	veq.s32 v0, $0x80000000;
	v2 =	vshll.u32 v0, $0x6;
	v1 =	vor.u32 v4, v1;
	[tilespmem:$0x800] =	vst v63  }
.LBB2_3:
0x3f: {  	s16 =	sadd.s32 $0x10, s16;
	v3 =	vshrl.u32 v0, $0xD;
	v4 =	vshll.u32 v0, $0x13;
	v0 =	vld.msk [tilespmem:s17+$0x0 ss:$0x1], $0xffff;
	v2 =	vand.u32 $0x7FF80, v2  }
0x40: {  	p1 =	slt.u32 s16, $0x1F0;
	v3 =	vand.u32 $0x3, v3;
	v4 =	vand.u32 $0x80000, v4;
	v2 =	vsel vm1, $0xFFFFFF80, v2  }
.Ltmp3:
0x41: {  	v3 =	vsel vm1, $0xFFFFFFFF, v3;
	v4 =	vsel vm1, $0xFFF80000, v4;
	v5 =	vand.u32 $0xFFFFFC00, v2;
	(pc) =	sbr.rel @p1 .LBB2_3-.Ltmp3, $4  }
0x42: {  	s15 =	sadd.s32 $0x10, s15;
	v4 =	vadd.s32 v4, v5;
	v5 =	vand.u32 $0xFFFFFC00, v3;
	(ifvalue) =	ssetifvalue $0x7FFFFFFF  }
0x43: {  	v2 =	vand.u32 $0x380, v2;
	v4 =	vadd.s32 v5, v4;
	[tilespmem:s15], [sflag:$0x1] =	stream.indirect_vreg.gather [hbm4b:s3+s10], $0x1, v1, vm0, $0x4038;
	[tilespmem:$0x800] =	vst v63  }
0x44: {  	v1 =	vand.u32 $0x7F, v3;
	v3 =	vor.u32 v2, v4  }
0x45: {  	s17 =	sadd.s32 $0x10, s17;
	vm1 =	veq.s32 v0, $0x80000000;
	v2 =	vshll.u32 v0, $0x6;
	v1 =	vor.u32 v1, v3  }
.Ltmp4:
0x46: {  	_ = 	snop;
	(pc) =	sbr.rel .LBB2_4-.Ltmp4, $1  }
0x47: {  	_ =	sdelay $0x3  }
.LBB2_6:
0x48: {  	_ =	sfence.sel $0x180000  }
0x49: {  	s2 =	simm.s32 $0x2;
	[bflag:$0x0] =	sbarrier.arrive $0xFFFF  }
0x4a: {  	s30 =	simm.s32 $0x3;
	[sflag:s2] =	ssyncpa.u1 $0x1  }
0x4b: {  	s31 =	simm.s32 $0x1;
	[sflag:s30] =	ssyncpa.u1 $0x1  }
0x4c: {  	[sflag:s31] =	ssyncpa.u1 $0x1  }
0x4d: {  	p0 =	sne.s32 s1, $0x0;
	_ =	strace $0x90000047  }
0x4e: {  	s0 =	sadd.s32 @!p0 $0x100000, s0;
	[bflag:$0x2] =	sbarrier.arrive $0xFFFF  }
0x4f: {  	[sflag:s0] =	ssyncadd.tile.s32 @!p0 $0x1;
	_ =	shalt  }
.Lfunc_end2:
_tile_overlayer_lowered:
.L_overlay_start_2:
0x50: {  	(tag) =	ssettag $0x2  }
0x51: {  	s0 =	rddreg [dreg:$0x0];
	s2 =	stileid.u32  }
0x52: {  	s1 =	rddreg [dreg:$0x1];
	p0 =	sne.s32 s2, $0x0  }
0x53: {  	s3 =	rddreg [dreg:$0x2];
	[bflag:$0x3] =	sbarrier.arrive $0xFFFF;
	s2 =	simm.s32 @!p0 $0x1C01  }
0x54: {  	[timem:s3], [sflag:s2] =	dma.local @!p0 [hbm:s0], s1  }
0x55: {  	s0 =	simm.s32 @!p0 $0x1  }
0x56: {  	_ =	swait.ge @!p0 [sflag:s0], s1  }
0x57: {  	s1 =	ssub.s32 @!p0 $0x0, s1;
	[sflag:s0] =	ssyncset.done @!p0 $0x0  }
0x58: {  	[sflag:s0] =	ssyncadd.s32 @!p0 s1  }
0x59: {  	[bflag:$0x3] =	sbarrier.arrive $0xFFFF  }
0x5a: {  	_ =	shalt  }

</sc_bundles>
